<compile_context>
chip_gen: v7x
topology: tpu7x:2x2x1
jax: 0.10.2.dev20260603
libtpu: 0.0.44.dev20260713+nightly
codegen_flags: <defaults>
</compile_context>

<pallas_src>
import functools

import jax
import jax.numpy as jnp
import numpy as np
from jax import lax
from jax.experimental import pallas as pl
from jax.experimental.pallas import tpu as pltpu
from jax.experimental.pallas import tpu_sc as plsc

B = 2
CIN = 96
N = 128
P = N * N
TH = 16
NT = N // TH
PAD = N
SLAB = TH * N + 2 * N

def _make_rv_consts():
    with jax.default_device(jax.local_devices(backend="cpu")[0]):
        rv4 = jax.random.normal(jax.random.key(42), (B, N, N, N),
                                dtype=jnp.float32)
        nrv3 = jnp.sqrt(jnp.sum(jnp.square(rv4), axis=1)).reshape(B, 1, P)
        rvb = rv4.reshape(B, N, P).astype(jnp.bfloat16)
    return np.asarray(rvb), np.asarray(nrv3)


_RVB, _NRV3 = _make_rv_consts()


def _conv_argmin_body(i1, i2, wc, book, xf, idx, d1pad, d2pad):
    t = pl.program_id(1)

    @pl.when(t == 0)
    def _init():
        z = jnp.zeros((CIN, PAD), jnp.float32)
        for pad, img in ((d1pad, i1), (d2pad, i2)):
            pad[:, :PAD] = z
            pad[:, PAD + P:] = z
            pad[:, PAD:PAD + P] = img[0].reshape(CIN, P)

    base = pl.multiple_of(t * (TH * N), TH * N)
    q = lax.broadcasted_iota(jnp.int32, (1, SLAB), 1)
    w = lax.rem(q, N)
    parts = []
    for pad in (d1pad, d2pad):
        slab = pad[:, pl.ds(base, SLAB)]
        parts.append(jnp.where(w != 0, jnp.roll(slab, 1, axis=1), 0.0))
        parts.append(slab)
        parts.append(jnp.where(w != N - 1, jnp.roll(slab, -1, axis=1), 0.0))
    vc = jnp.concatenate(parts, axis=0)

    acc = jnp.zeros((N, TH * N), jnp.float32)
    for kh in range(3):
        tv = lax.slice(vc, (0, kh * N), (6 * CIN, kh * N + TH * N))
        acc = acc + lax.dot_general(
            wc[kh], tv, (((1,), (0,)), ((), ())),
            preferred_element_type=jnp.float32)
    xf[0] = acc

    xs = jnp.concatenate(
        [lax.slice(acc, (0, r * N), (N, (r + 1) * N)) for r in range(TH)],
        axis=0)
    bk = book[...]
    dot = lax.dot_general(xs, bk, (((1,), (1,)), ((), ())),
                          preferred_element_type=jnp.float32)
    x2 = jnp.sum(xs * xs, axis=1, keepdims=True)
    b2 = jnp.sum(bk * bk, axis=1).reshape(1, N)
    d2 = x2 + b2 - 2.0 * dot
    dd = jnp.sqrt(jnp.maximum(d2, 0.0)).reshape(TH, N, N)
    ei = lax.broadcasted_iota(jnp.int32, (TH, N, N), 1)
    mn = jnp.min(dd, axis=1, keepdims=True)
    idx[0] = jnp.min(jnp.where(dd == mn, ei, N), axis=1)


_call_a = pl.pallas_call(
    _conv_argmin_body,
    grid=(B, NT),
    in_specs=[
        pl.BlockSpec((1, CIN, N, N), lambda b, t: (b, 0, 0, 0)),
        pl.BlockSpec((1, CIN, N, N), lambda b, t: (b, 0, 0, 0)),
        pl.BlockSpec((3, N, 6 * CIN), lambda b, t: (0, 0, 0)),
        pl.BlockSpec((N, N), lambda b, t: (0, 0)),
    ],
    out_specs=[
        pl.BlockSpec((1, N, TH * N), lambda b, t: (b, 0, t)),
        pl.BlockSpec((1, TH, N), lambda b, t: (b, t, 0)),
    ],
    out_shape=[
        jax.ShapeDtypeStruct((B, N, P), jnp.float32),
        jax.ShapeDtypeStruct((B, N, N), jnp.int32),
    ],
    scratch_shapes=[pltpu.VMEM((CIN, P + 2 * PAD), jnp.float32),
                    pltpu.VMEM((CIN, P + 2 * PAD), jnp.float32)],
)

_NC = 2
_NS = 16
_NW = _NC * _NS
_RPW = (B * N * N) // _NW
_CH = 256


def _sc_gather_body(book_hbm, idx_hbm, g_hbm, idxv, rows, semg, sems):
    wid = lax.axis_index("s") * _NC + lax.axis_index("c")
    base = wid * _RPW
    ncb = _RPW // _CH
    pltpu.sync_copy(idx_hbm.at[pl.ds(base, _RPW)], idxv)

    def _gather(ch):
        return pltpu.async_copy(
            book_hbm.at[idxv.at[pl.ds(ch * _CH, _CH)]], rows.at[ch % 2], semg)

    def _scatter(ch):
        return pltpu.async_copy(
            rows.at[ch % 2], g_hbm.at[pl.ds(base + ch * _CH, _CH)], sems)

    gd = [None] * ncb
    sd = [None] * ncb
    gd[0] = _gather(0)
    for ch in range(ncb):
        gd[ch].wait()
        if ch + 1 < ncb:
            if ch >= 1:
                sd[ch - 1].wait()
            gd[ch + 1] = _gather(ch + 1)
        sd[ch] = _scatter(ch)
    sd[ncb - 2].wait()
    sd[ncb - 1].wait()


@functools.cache
def _sc_gather():
    return pl.kernel(
        _sc_gather_body,
        out_type=jax.ShapeDtypeStruct((B * N * N, N), jnp.float32),
        mesh=plsc.VectorSubcoreMesh(core_axis_name="c", subcore_axis_name="s",
                                    num_cores=_NC, num_subcores=_NS),
        scratch_types=[
            pltpu.VMEM((_RPW,), jnp.int32),
            pltpu.VMEM((2, _CH, N), jnp.float32),
            pltpu.SemaphoreType.DMA,
            pltpu.SemaphoreType.DMA,
        ],
        compiler_params=pltpu.CompilerParams(use_tc_tiling_on_sc=False),
    )


def _quant_body(xr, gr, rvr, nrvr, qr):
    x = xr[0]
    r = x - gr[0]
    n2 = jnp.sum(r * r, axis=0, keepdims=True)
    ratio = jnp.sqrt(n2) / nrvr[0] + 1e-6
    qr[0] = (x + ratio * rvr[0].astype(jnp.float32)).astype(jnp.bfloat16)


_call_c1 = pl.pallas_call(
    _quant_body,
    grid=(B, NT),
    in_specs=[
        pl.BlockSpec((1, N, TH * N), lambda b, t: (b, 0, t)),
        pl.BlockSpec((1, N, TH * N), lambda b, t: (b, 0, t)),
        pl.BlockSpec((1, N, TH * N), lambda b, t: (b, 0, t)),
        pl.BlockSpec((1, 1, TH * N), lambda b, t: (b, 0, t)),
    ],
    out_specs=pl.BlockSpec((1, N, TH * N), lambda b, t: (b, 0, t)),
    out_shape=jax.ShapeDtypeStruct((B, N, P), jnp.bfloat16),
)


def _conv2_body(qr, wc2, bb, outr, qpad):
    t = pl.program_id(1)

    @pl.when(t == 0)
    def _init():
        z = jnp.zeros((N, PAD), jnp.bfloat16)
        qpad[:, :PAD] = z
        qpad[:, PAD + P:] = z
        qpad[:, PAD:PAD + P] = qr[0]

    base = pl.multiple_of(t * (TH * N), TH * N)
    slab = qpad[:, pl.ds(base, SLAB)]
    q = lax.broadcasted_iota(jnp.int32, (1, SLAB), 1)
    w = lax.rem(q, N)
    zero = jnp.zeros((), jnp.bfloat16)
    vm1 = jnp.where(w != 0, jnp.roll(slab, 1, axis=1), zero)
    vp1 = jnp.where(w != N - 1, jnp.roll(slab, -1, axis=1), zero)
    vc = jnp.concatenate([vm1, slab, vp1], axis=0)

    acc = jnp.zeros((CIN, TH * N), jnp.float32)
    for kh in range(3):
        tv = lax.slice(vc, (0, kh * N), (3 * N, kh * N + TH * N))
        acc = acc + lax.dot_general(
            wc2[kh], tv, (((1,), (0,)), ((), ())),
            preferred_element_type=jnp.float32)
    outr[0] = acc + bb[...]


_call_c2 = pl.pallas_call(
    _conv2_body,
    grid=(B, NT),
    in_specs=[
        pl.BlockSpec((1, N, P), lambda b, t: (b, 0, 0)),
        pl.BlockSpec((3, CIN, 3 * N), lambda b, t: (0, 0, 0)),
        pl.BlockSpec((CIN, 1), lambda b, t: (0, 0)),
    ],
    out_specs=pl.BlockSpec((1, CIN, TH * N), lambda b, t: (b, 0, t)),
    out_shape=jax.ShapeDtypeStruct((B, CIN, P), jnp.float32),
    scratch_shapes=[pltpu.VMEM((N, P + 2 * PAD), jnp.bfloat16)],
)


def kernel(image_1, image_2, W_in, b_in, W_out, b_out, book):
    del b_in
    wc = W_in.transpose(2, 0, 3, 1).reshape(3, N, 3 * CIN)
    wc12 = jnp.concatenate([wc, -wc], axis=2)
    xf, idx = _call_a(image_1, image_2, wc12, book)
    g = _sc_gather()(book, idx.reshape(B * N * N))
    qb = _call_c1(xf, g.reshape(B, N, P), _RVB, _NRV3)
    wc2 = W_out.transpose(2, 0, 3, 1).reshape(3, CIN, 3 * N).astype(jnp.bfloat16)
    outf = _call_c2(qb, wc2, b_out.reshape(CIN, 1))
    return outf.reshape(B, CIN, N, N), idx

# --- scband reference (transcript-rebuilt; emitter-appended) ---
"""Pipeline reference for scband-naive-codebook-47536698032991 (READ-ONLY COPY).

The authoritative reference and input builder live on the scoring server;
editing this copy changes nothing except your own understanding.
"""

import jax, jax.numpy as jnp
import numpy as np

B, C_IN, N = 2, 96, 128  # N = embedding_dim = num_embeddings = H = W


def _conv2d(x, w, b):
    y = jax.lax.conv_general_dilated(
        x, w, window_strides=(1, 1), padding=((1, 1), (1, 1)),
        dimension_numbers=('NCHW', 'OIHW', 'NCHW'))
    return y + b[None, :, None, None]


def _cdist(x, book):
    # x: [B, E, H, M], book: [K, M]; euclidean distance along last dim
    x2 = jnp.sum(x * x, axis=-1, keepdims=True)          # [B,E,H,1]
    b2 = jnp.sum(book * book, axis=-1)                   # [K]
    dot = jnp.einsum('behm,km->behk', x, book)           # [B,E,H,K]
    d2 = x2 + b2[None, None, None, :] - 2.0 * dot
    return jnp.sqrt(jnp.maximum(d2, 0.0))


def setup_inputs(seed: int = 0) -> dict:
    key = jax.random.key(seed)
    ks = jax.random.split(key, 7)
    image_1 = jax.random.normal(ks[0], (B, C_IN, N, N), dtype=jnp.float32)
    image_2 = jax.random.normal(ks[1], (B, C_IN, N, N), dtype=jnp.float32)
    W_in = jax.random.normal(ks[2], (N, C_IN, 3, 3), dtype=jnp.float32) * 0.05
    b_in = jax.random.normal(ks[3], (N,), dtype=jnp.float32) * 0.01
    W_out = jax.random.normal(ks[4], (C_IN, N, 3, 3), dtype=jnp.float32) * 0.05
    b_out = jax.random.normal(ks[5], (C_IN,), dtype=jnp.float32) * 0.01
    book = jax.random.normal(ks[6], (N, N), dtype=jnp.float32)
    return {"image_1": image_1, "image_2": image_2, "W_in": W_in,
            "b_in": b_in, "W_out": W_out, "b_out": b_out, "book": book}


def reference(image_1, image_2, W_in, b_in, W_out, b_out, book):
    p1 = _conv2d(image_1, W_in, b_in)
    p2 = _conv2d(image_2, W_in, b_in)
    input_data = p1 - p2                                  # [B, E, H, W] with W == E == N
    distances = _cdist(input_data, book)                  # [B, E, H, K]
    indices = jnp.argmin(distances, axis=1)               # [B, H, K]
    hard_quantized_input = book[indices]                  # [B, H, K, E] == [B,N,N,N]
    random_vector = jax.random.normal(jax.random.key(42), input_data.shape,
                                      dtype=jnp.float32)
    norm_quantization_residual = jnp.sqrt(
        jnp.sum(jnp.square(input_data - hard_quantized_input), axis=1, keepdims=True))
    norm_random_vector = jnp.sqrt(
        jnp.sum(jnp.square(random_vector), axis=1, keepdims=True))
    vq_error = (norm_quantization_residual / norm_random_vector + 1e-06) * random_vector
    quantized_input = input_data + vq_error
    out = _conv2d(quantized_input, W_out, b_out)
    return (out, indices)

if __name__ == "__main__":
    import jax
    _d = setup_inputs()
    print(jax.jit(kernel)(*tuple(_d.values())))

</pallas_src>

<mosaic_0001>
#map = affine_map<(d0, d1) -> (0, 0)>
#map1 = affine_map<(d0, d1) -> (0)>
module attributes {stable_mosaic.version = 14 : i64} {
  func.func @_sc_gather_body(%arg0: i32, %arg1: i32, %arg2: memref<128x128xf32, #tpu.memory_space<hbm>>, %arg3: memref<32768xi32, #tpu.memory_space<hbm>>, %arg4: memref<32768x128xf32, #tpu.memory_space<hbm>>, %arg5: memref<1024xi32, #tpu.memory_space<vmem>>, %arg6: memref<2x256x128xf32, #tpu.memory_space<vmem>>, %arg7: memref<!tpu.dma_semaphore, #tpu.memory_space<semaphore_mem>>, %arg8: memref<!tpu.dma_semaphore, #tpu.memory_space<semaphore_mem>>) attributes {dimension_semantics = [#tpu.dimension_semantics<core_parallel>, #tpu.dimension_semantics<subcore_parallel>], iteration_bounds = array<i64: 2, 16>, scalar_prefetch = 0 : i64, scratch_operands = 4 : i64, tpu.core_type = #tpu.core_type<sc_vector_subcore>, window_params = [{transform_indices = #map}, {transform_indices = #map1}, {transform_indices = #map}]} {
    %mul3A = arith.constant 2 : i32
    %mul3A_0 = arith.muli %arg1, %mul3A : i32
    %add3A = arith.addi %mul3A_0, %arg0 : i32
    %mul3A_1 = arith.constant 1024 : i32
    %mul3A_2 = arith.muli %add3A, %mul3A_1 : i32
    "tpu.region"() ({
      %run_scoped3A = tpu.sem_alloc : memref<!tpu.dma_semaphore, #tpu.memory_space<semaphore_mem>>
      %dma_start3A_193 = tpu.memref_slice %arg3[%mul3A_2] : memref<32768xi32, #tpu.memory_space<hbm>> -> memref<1024xi32, #tpu.memory_space<hbm>>
      %dma_start3A_194 = tpu.memref_slice %arg3[%mul3A_2] : memref<32768xi32, #tpu.memory_space<hbm>> -> memref<1024xi32, #tpu.memory_space<hbm>>
      tpu.enqueue_dma source(%dma_start3A_194 : memref<1024xi32, #tpu.memory_space<hbm>>) target(%arg5 : memref<1024xi32, #tpu.memory_space<vmem>>) target_semaphore(%run_scoped3A : memref<!tpu.dma_semaphore, #tpu.memory_space<semaphore_mem>>)
      %dma_wait3A_195 = tpu.memref_slice %arg3[%mul3A_2] : memref<32768xi32, #tpu.memory_space<hbm>> -> memref<1024xi32, #tpu.memory_space<hbm>>
      %dma_wait3A_196 = tpu.memref_slice %arg3[%mul3A_2] : memref<32768xi32, #tpu.memory_space<hbm>> -> memref<1024xi32, #tpu.memory_space<hbm>>
      tpu.wait_dma2 semaphore(%run_scoped3A : memref<!tpu.dma_semaphore, #tpu.memory_space<semaphore_mem>>) src(%dma_wait3A_196 : memref<1024xi32, #tpu.memory_space<hbm>>) dst(%arg5 : memref<1024xi32, #tpu.memory_space<vmem>>)
      tpu.yield
    }) : () -> ()
    %dma_start3A = arith.constant 0 : i32
    %dma_start3A_3 = arith.constant 0 : i32
    %dma_start3A_4 = arith.constant 0 : i32
    %dma_start3A_5 = tpu.memref_slice %arg6[%dma_start3A, %dma_start3A_3, %dma_start3A_4] : memref<2x256x128xf32, #tpu.memory_space<vmem>> -> memref<1x256x128xf32, #tpu.memory_space<vmem>>
    %dma_start3A_6 = tpu.memref_squeeze %dma_start3A_5 : memref<1x256x128xf32, #tpu.memory_space<vmem>> -> memref<256x128xf32, #tpu.memory_space<vmem>>
    %dma_start3A_7 = arith.constant 0 : i32
    %dma_start3A_8 = tpu.memref_slice %arg5[%dma_start3A_7] : memref<1024xi32, #tpu.memory_space<vmem>> -> memref<256xi32, #tpu.memory_space<vmem>>
    %dma_start3A_9 = arith.constant 0 : i32
    %dma_start3A_10 = arith.constant 0 : i32
    %dma_start3A_11 = tpu.memref_slice %arg2[%dma_start3A_9, %dma_start3A_10] : memref<128x128xf32, #tpu.memory_space<hbm>> -> memref<128x128xf32, #tpu.memory_space<hbm>>
    tpu.enqueue_indirect_dma source(%dma_start3A_11 : memref<128x128xf32, #tpu.memory_space<hbm>>) target(%dma_start3A_6 : memref<256x128xf32, #tpu.memory_space<vmem>>) offsets(%dma_start3A_8 : memref<256xi32, #tpu.memory_space<vmem>>) semaphore(%arg7 : memref<!tpu.dma_semaphore, #tpu.memory_space<semaphore_mem>>)
    %dma_wait3A = arith.constant 0 : i32
    %dma_wait3A_12 = arith.constant 0 : i32
    %dma_wait3A_13 = arith.constant 0 : i32
    %dma_wait3A_14 = tpu.memref_slice %arg6[%dma_wait3A, %dma_wait3A_12, %dma_wait3A_13] : memref<2x256x128xf32, #tpu.memory_space<vmem>> -> memref<1x256x128xf32, #tpu.memory_space<vmem>>
    %dma_wait3A_15 = tpu.memref_squeeze %dma_wait3A_14 : memref<1x256x128xf32, #tpu.memory_space<vmem>> -> memref<256x128xf32, #tpu.memory_space<vmem>>
    %dma_wait3A_16 = arith.constant 0 : i32
    %dma_wait3A_17 = tpu.memref_slice %arg5[%dma_wait3A_16] : memref<1024xi32, #tpu.memory_space<vmem>> -> memref<256xi32, #tpu.memory_space<vmem>>
    %dma_wait3A_18 = arith.constant 0 : i32
    %dma_wait3A_19 = arith.constant 0 : i32
    %dma_wait3A_20 = tpu.memref_slice %arg2[%dma_wait3A_18, %dma_wait3A_19] : memref<128x128xf32, #tpu.memory_space<hbm>> -> memref<128x128xf32, #tpu.memory_space<hbm>>
    tpu.wait_indirect_dma semaphore(%arg7 : memref<!tpu.dma_semaphore, #tpu.memory_space<semaphore_mem>>) src(%dma_wait3A_20 : memref<128x128xf32, #tpu.memory_space<hbm>>) dst(%dma_wait3A_15 : memref<256x128xf32, #tpu.memory_space<vmem>>)
    %dma_start3A_21 = arith.constant 1 : i32
    %dma_start3A_22 = arith.constant 0 : i32
    %dma_start3A_23 = arith.constant 0 : i32
    %dma_start3A_24 = tpu.memref_slice %arg6[%dma_start3A_21, %dma_start3A_22, %dma_start3A_23] : memref<2x256x128xf32, #tpu.memory_space<vmem>> -> memref<1x256x128xf32, #tpu.memory_space<vmem>>
    %dma_start3A_25 = tpu.memref_squeeze %dma_start3A_24 : memref<1x256x128xf32, #tpu.memory_space<vmem>> -> memref<256x128xf32, #tpu.memory_space<vmem>>
    %dma_start3A_26 = arith.constant 256 : i32
    %dma_start3A_27 = tpu.memref_slice %arg5[%dma_start3A_26] : memref<1024xi32, #tpu.memory_space<vmem>> -> memref<256xi32, #tpu.memory_space<vmem>>
    %dma_start3A_28 = arith.constant 0 : i32
    %dma_start3A_29 = arith.constant 0 : i32
    %dma_start3A_30 = tpu.memref_slice %arg2[%dma_start3A_28, %dma_start3A_29] : memref<128x128xf32, #tpu.memory_space<hbm>> -> memref<128x128xf32, #tpu.memory_space<hbm>>
    tpu.enqueue_indirect_dma source(%dma_start3A_30 : memref<128x128xf32, #tpu.memory_space<hbm>>) target(%dma_start3A_25 : memref<256x128xf32, #tpu.memory_space<vmem>>) offsets(%dma_start3A_27 : memref<256xi32, #tpu.memory_space<vmem>>) semaphore(%arg7 : memref<!tpu.dma_semaphore, #tpu.memory_space<semaphore_mem>>)
    %add3A_31 = arith.constant 0 : i32
    %add3A_32 = arith.addi %mul3A_2, %add3A_31 : i32
    %dma_start3A_33 = arith.constant 0 : i32
    %dma_start3A_34 = arith.constant 0 : i32
    %dma_start3A_35 = arith.constant 0 : i32
    %dma_start3A_36 = tpu.memref_slice %arg6[%dma_start3A_33, %dma_start3A_34, %dma_start3A_35] : memref<2x256x128xf32, #tpu.memory_space<vmem>> -> memref<1x256x128xf32, #tpu.memory_space<vmem>>
    %dma_start3A_37 = tpu.memref_squeeze %dma_start3A_36 : memref<1x256x128xf32, #tpu.memory_space<vmem>> -> memref<256x128xf32, #tpu.memory_space<vmem>>
    %dma_start3A_38 = arith.constant 0 : i32
    %dma_start3A_39 = tpu.memref_slice %arg4[%add3A_32, %dma_start3A_38] : memref<32768x128xf32, #tpu.memory_space<hbm>> -> memref<256x128xf32, #tpu.memory_space<hbm>>
    %dma_start3A_40 = arith.constant 0 : i32
    %dma_start3A_41 = tpu.memref_slice %arg4[%add3A_32, %dma_start3A_40] : memref<32768x128xf32, #tpu.memory_space<hbm>> -> memref<256x128xf32, #tpu.memory_space<hbm>>
    %dma_start3A_42 = arith.constant 0 : i32
    %dma_start3A_43 = arith.constant 0 : i32
    %dma_start3A_44 = tpu.memref_slice %arg6[%dma_start3A_33, %dma_start3A_42, %dma_start3A_43] : memref<2x256x128xf32, #tpu.memory_space<vmem>> -> memref<1x256x128xf32, #tpu.memory_space<vmem>>
    %dma_start3A_45 = tpu.memref_squeeze %dma_start3A_44 : memref<1x256x128xf32, #tpu.memory_space<vmem>> -> memref<256x128xf32, #tpu.memory_space<vmem>>
    tpu.enqueue_dma source(%dma_start3A_45 : memref<256x128xf32, #tpu.memory_space<vmem>>) target(%dma_start3A_41 : memref<256x128xf32, #tpu.memory_space<hbm>>) target_semaphore(%arg8 : memref<!tpu.dma_semaphore, #tpu.memory_space<semaphore_mem>>)
    %dma_wait3A_46 = arith.constant 1 : i32
    %dma_wait3A_47 = arith.constant 0 : i32
    %dma_wait3A_48 = arith.constant 0 : i32
    %dma_wait3A_49 = tpu.memref_slice %arg6[%dma_wait3A_46, %dma_wait3A_47, %dma_wait3A_48] : memref<2x256x128xf32, #tpu.memory_space<vmem>> -> memref<1x256x128xf32, #tpu.memory_space<vmem>>
    %dma_wait3A_50 = tpu.memref_squeeze %dma_wait3A_49 : memref<1x256x128xf32, #tpu.memory_space<vmem>> -> memref<256x128xf32, #tpu.memory_space<vmem>>
    %dma_wait3A_51 = arith.constant 256 : i32
    %dma_wait3A_52 = tpu.memref_slice %arg5[%dma_wait3A_51] : memref<1024xi32, #tpu.memory_space<vmem>> -> memref<256xi32, #tpu.memory_space<vmem>>
    %dma_wait3A_53 = arith.constant 0 : i32
    %dma_wait3A_54 = arith.constant 0 : i32
    %dma_wait3A_55 = tpu.memref_slice %arg2[%dma_wait3A_53, %dma_wait3A_54] : memref<128x128xf32, #tpu.memory_space<hbm>> -> memref<128x128xf32, #tpu.memory_space<hbm>>
    tpu.wait_indirect_dma semaphore(%arg7 : memref<!tpu.dma_semaphore, #tpu.memory_space<semaphore_mem>>) src(%dma_wait3A_55 : memref<128x128xf32, #tpu.memory_space<hbm>>) dst(%dma_wait3A_50 : memref<256x128xf32, #tpu.memory_space<vmem>>)
    %dma_wait3A_56 = arith.constant 0 : i32
    %dma_wait3A_57 = arith.constant 0 : i32
    %dma_wait3A_58 = arith.constant 0 : i32
    %dma_wait3A_59 = tpu.memref_slice %arg6[%dma_wait3A_56, %dma_wait3A_57, %dma_wait3A_58] : memref<2x256x128xf32, #tpu.memory_space<vmem>> -> memref<1x256x128xf32, #tpu.memory_space<vmem>>
    %dma_wait3A_60 = tpu.memref_squeeze %dma_wait3A_59 : memref<1x256x128xf32, #tpu.memory_space<vmem>> -> memref<256x128xf32, #tpu.memory_space<vmem>>
    %dma_wait3A_61 = arith.constant 0 : i32
    %dma_wait3A_62 = tpu.memref_slice %arg4[%add3A_32, %dma_wait3A_61] : memref<32768x128xf32, #tpu.memory_space<hbm>> -> memref<256x128xf32, #tpu.memory_space<hbm>>
    %dma_wait3A_63 = arith.constant 0 : i32
    %dma_wait3A_64 = tpu.memref_slice %arg4[%add3A_32, %dma_wait3A_63] : memref<32768x128xf32, #tpu.memory_space<hbm>> -> memref<256x128xf32, #tpu.memory_space<hbm>>
    %dma_wait3A_65 = arith.constant 0 : i32
    %dma_wait3A_66 = arith.constant 0 : i32
    %dma_wait3A_67 = tpu.memref_slice %arg6[%dma_wait3A_56, %dma_wait3A_65, %dma_wait3A_66] : memref<2x256x128xf32, #tpu.memory_space<vmem>> -> memref<1x256x128xf32, #tpu.memory_space<vmem>>
    %dma_wait3A_68 = tpu.memref_squeeze %dma_wait3A_67 : memref<1x256x128xf32, #tpu.memory_space<vmem>> -> memref<256x128xf32, #tpu.memory_space<vmem>>
    tpu.wait_dma2 semaphore(%arg8 : memref<!tpu.dma_semaphore, #tpu.memory_space<semaphore_mem>>) src(%dma_wait3A_68 : memref<256x128xf32, #tpu.memory_space<vmem>>) dst(%dma_wait3A_64 : memref<256x128xf32, #tpu.memory_space<hbm>>)
    %dma_start3A_69 = arith.constant 0 : i32
    %dma_start3A_70 = arith.constant 0 : i32
    %dma_start3A_71 = arith.constant 0 : i32
    %dma_start3A_72 = tpu.memref_slice %arg6[%dma_start3A_69, %dma_start3A_70, %dma_start3A_71] : memref<2x256x128xf32, #tpu.memory_space<vmem>> -> memref<1x256x128xf32, #tpu.memory_space<vmem>>
    %dma_start3A_73 = tpu.memref_squeeze %dma_start3A_72 : memref<1x256x128xf32, #tpu.memory_space<vmem>> -> memref<256x128xf32, #tpu.memory_space<vmem>>
    %dma_start3A_74 = arith.constant 512 : i32
    %dma_start3A_75 = tpu.memref_slice %arg5[%dma_start3A_74] : memref<1024xi32, #tpu.memory_space<vmem>> -> memref<256xi32, #tpu.memory_space<vmem>>
    %dma_start3A_76 = arith.constant 0 : i32
    %dma_start3A_77 = arith.constant 0 : i32
    %dma_start3A_78 = tpu.memref_slice %arg2[%dma_start3A_76, %dma_start3A_77] : memref<128x128xf32, #tpu.memory_space<hbm>> -> memref<128x128xf32, #tpu.memory_space<hbm>>
    tpu.enqueue_indirect_dma source(%dma_start3A_78 : memref<128x128xf32, #tpu.memory_space<hbm>>) target(%dma_start3A_73 : memref<256x128xf32, #tpu.memory_space<vmem>>) offsets(%dma_start3A_75 : memref<256xi32, #tpu.memory_space<vmem>>) semaphore(%arg7 : memref<!tpu.dma_semaphore, #tpu.memory_space<semaphore_mem>>)
    %add3A_79 = arith.constant 256 : i32
    %add3A_80 = arith.addi %mul3A_2, %add3A_79 : i32
    %dma_start3A_81 = arith.constant 1 : i32
    %dma_start3A_82 = arith.constant 0 : i32
    %dma_start3A_83 = arith.constant 0 : i32
    %dma_start3A_84 = tpu.memref_slice %arg6[%dma_start3A_81, %dma_start3A_82, %dma_start3A_83] : memref<2x256x128xf32, #tpu.memory_space<vmem>> -> memref<1x256x128xf32, #tpu.memory_space<vmem>>
    %dma_start3A_85 = tpu.memref_squeeze %dma_start3A_84 : memref<1x256x128xf32, #tpu.memory_space<vmem>> -> memref<256x128xf32, #tpu.memory_space<vmem>>
    %dma_start3A_86 = arith.constant 0 : i32
    %dma_start3A_87 = tpu.memref_slice %arg4[%add3A_80, %dma_start3A_86] : memref<32768x128xf32, #tpu.memory_space<hbm>> -> memref<256x128xf32, #tpu.memory_space<hbm>>
    %dma_start3A_88 = arith.constant 0 : i32
    %dma_start3A_89 = tpu.memref_slice %arg4[%add3A_80, %dma_start3A_88] : memref<32768x128xf32, #tpu.memory_space<hbm>> -> memref<256x128xf32, #tpu.memory_space<hbm>>
    %dma_start3A_90 = arith.constant 0 : i32
    %dma_start3A_91 = arith.constant 0 : i32
    %dma_start3A_92 = tpu.memref_slice %arg6[%dma_start3A_81, %dma_start3A_90, %dma_start3A_91] : memref<2x256x128xf32, #tpu.memory_space<vmem>> -> memref<1x256x128xf32, #tpu.memory_space<vmem>>
    %dma_start3A_93 = tpu.memref_squeeze %dma_start3A_92 : memref<1x256x128xf32, #tpu.memory_space<vmem>> -> memref<256x128xf32, #tpu.memory_space<vmem>>
    tpu.enqueue_dma source(%dma_start3A_93 : memref<256x128xf32, #tpu.memory_space<vmem>>) target(%dma_start3A_89 : memref<256x128xf32, #tpu.memory_space<hbm>>) target_semaphore(%arg8 : memref<!tpu.dma_semaphore, #tpu.memory_space<semaphore_mem>>)
    %dma_wait3A_94 = arith.constant 0 : i32
    %dma_wait3A_95 = arith.constant 0 : i32
    %dma_wait3A_96 = arith.constant 0 : i32
    %dma_wait3A_97 = tpu.memref_slice %arg6[%dma_wait3A_94, %dma_wait3A_95, %dma_wait3A_96] : memref<2x256x128xf32, #tpu.memory_space<vmem>> -> memref<1x256x128xf32, #tpu.memory_space<vmem>>
    %dma_wait3A_98 = tpu.memref_squeeze %dma_wait3A_97 : memref<1x256x128xf32, #tpu.memory_space<vmem>> -> memref<256x128xf32, #tpu.memory_space<vmem>>
    %dma_wait3A_99 = arith.constant 512 : i32
    %dma_wait3A_100 = tpu.memref_slice %arg5[%dma_wait3A_99] : memref<1024xi32, #tpu.memory_space<vmem>> -> memref<256xi32, #tpu.memory_space<vmem>>
    %dma_wait3A_101 = arith.constant 0 : i32
    %dma_wait3A_102 = arith.constant 0 : i32
    %dma_wait3A_103 = tpu.memref_slice %arg2[%dma_wait3A_101, %dma_wait3A_102] : memref<128x128xf32, #tpu.memory_space<hbm>> -> memref<128x128xf32, #tpu.memory_space<hbm>>
    tpu.wait_indirect_dma semaphore(%arg7 : memref<!tpu.dma_semaphore, #tpu.memory_space<semaphore_mem>>) src(%dma_wait3A_103 : memref<128x128xf32, #tpu.memory_space<hbm>>) dst(%dma_wait3A_98 : memref<256x128xf32, #tpu.memory_space<vmem>>)
    %dma_wait3A_104 = arith.constant 1 : i32
    %dma_wait3A_105 = arith.constant 0 : i32
    %dma_wait3A_106 = arith.constant 0 : i32
    %dma_wait3A_107 = tpu.memref_slice %arg6[%dma_wait3A_104, %dma_wait3A_105, %dma_wait3A_106] : memref<2x256x128xf32, #tpu.memory_space<vmem>> -> memref<1x256x128xf32, #tpu.memory_space<vmem>>
    %dma_wait3A_108 = tpu.memref_squeeze %dma_wait3A_107 : memref<1x256x128xf32, #tpu.memory_space<vmem>> -> memref<256x128xf32, #tpu.memory_space<vmem>>
    %dma_wait3A_109 = arith.constant 0 : i32
    %dma_wait3A_110 = tpu.memref_slice %arg4[%add3A_80, %dma_wait3A_109] : memref<32768x128xf32, #tpu.memory_space<hbm>> -> memref<256x128xf32, #tpu.memory_space<hbm>>
    %dma_wait3A_111 = arith.constant 0 : i32
    %dma_wait3A_112 = tpu.memref_slice %arg4[%add3A_80, %dma_wait3A_111] : memref<32768x128xf32, #tpu.memory_space<hbm>> -> memref<256x128xf32, #tpu.memory_space<hbm>>
    %dma_wait3A_113 = arith.constant 0 : i32
    %dma_wait3A_114 = arith.constant 0 : i32
    %dma_wait3A_115 = tpu.memref_slice %arg6[%dma_wait3A_104, %dma_wait3A_113, %dma_wait3A_114] : memref<2x256x128xf32, #tpu.memory_space<vmem>> -> memref<1x256x128xf32, #tpu.memory_space<vmem>>
    %dma_wait3A_116 = tpu.memref_squeeze %dma_wait3A_115 : memref<1x256x128xf32, #tpu.memory_space<vmem>> -> memref<256x128xf32, #tpu.memory_space<vmem>>
    tpu.wait_dma2 semaphore(%arg8 : memref<!tpu.dma_semaphore, #tpu.memory_space<semaphore_mem>>) src(%dma_wait3A_116 : memref<256x128xf32, #tpu.memory_space<vmem>>) dst(%dma_wait3A_112 : memref<256x128xf32, #tpu.memory_space<hbm>>)
    %dma_start3A_117 = arith.constant 1 : i32
    %dma_start3A_118 = arith.constant 0 : i32
    %dma_start3A_119 = arith.constant 0 : i32
    %dma_start3A_120 = tpu.memref_slice %arg6[%dma_start3A_117, %dma_start3A_118, %dma_start3A_119] : memref<2x256x128xf32, #tpu.memory_space<vmem>> -> memref<1x256x128xf32, #tpu.memory_space<vmem>>
    %dma_start3A_121 = tpu.memref_squeeze %dma_start3A_120 : memref<1x256x128xf32, #tpu.memory_space<vmem>> -> memref<256x128xf32, #tpu.memory_space<vmem>>
    %dma_start3A_122 = arith.constant 768 : i32
    %dma_start3A_123 = tpu.memref_slice %arg5[%dma_start3A_122] : memref<1024xi32, #tpu.memory_space<vmem>> -> memref<256xi32, #tpu.memory_space<vmem>>
    %dma_start3A_124 = arith.constant 0 : i32
    %dma_start3A_125 = arith.constant 0 : i32
    %dma_start3A_126 = tpu.memref_slice %arg2[%dma_start3A_124, %dma_start3A_125] : memref<128x128xf32, #tpu.memory_space<hbm>> -> memref<128x128xf32, #tpu.memory_space<hbm>>
    tpu.enqueue_indirect_dma source(%dma_start3A_126 : memref<128x128xf32, #tpu.memory_space<hbm>>) target(%dma_start3A_121 : memref<256x128xf32, #tpu.memory_space<vmem>>) offsets(%dma_start3A_123 : memref<256xi32, #tpu.memory_space<vmem>>) semaphore(%arg7 : memref<!tpu.dma_semaphore, #tpu.memory_space<semaphore_mem>>)
    %add3A_127 = arith.constant 512 : i32
    %add3A_128 = arith.addi %mul3A_2, %add3A_127 : i32
    %dma_start3A_129 = arith.constant 0 : i32
    %dma_start3A_130 = arith.constant 0 : i32
    %dma_start3A_131 = arith.constant 0 : i32
    %dma_start3A_132 = tpu.memref_slice %arg6[%dma_start3A_129, %dma_start3A_130, %dma_start3A_131] : memref<2x256x128xf32, #tpu.memory_space<vmem>> -> memref<1x256x128xf32, #tpu.memory_space<vmem>>
    %dma_start3A_133 = tpu.memref_squeeze %dma_start3A_132 : memref<1x256x128xf32, #tpu.memory_space<vmem>> -> memref<256x128xf32, #tpu.memory_space<vmem>>
    %dma_start3A_134 = arith.constant 0 : i32
    %dma_start3A_135 = tpu.memref_slice %arg4[%add3A_128, %dma_start3A_134] : memref<32768x128xf32, #tpu.memory_space<hbm>> -> memref<256x128xf32, #tpu.memory_space<hbm>>
    %dma_start3A_136 = arith.constant 0 : i32
    %dma_start3A_137 = tpu.memref_slice %arg4[%add3A_128, %dma_start3A_136] : memref<32768x128xf32, #tpu.memory_space<hbm>> -> memref<256x128xf32, #tpu.memory_space<hbm>>
    %dma_start3A_138 = arith.constant 0 : i32
    %dma_start3A_139 = arith.constant 0 : i32
    %dma_start3A_140 = tpu.memref_slice %arg6[%dma_start3A_129, %dma_start3A_138, %dma_start3A_139] : memref<2x256x128xf32, #tpu.memory_space<vmem>> -> memref<1x256x128xf32, #tpu.memory_space<vmem>>
    %dma_start3A_141 = tpu.memref_squeeze %dma_start3A_140 : memref<1x256x128xf32, #tpu.memory_space<vmem>> -> memref<256x128xf32, #tpu.memory_space<vmem>>
    tpu.enqueue_dma source(%dma_start3A_141 : memref<256x128xf32, #tpu.memory_space<vmem>>) target(%dma_start3A_137 : memref<256x128xf32, #tpu.memory_space<hbm>>) target_semaphore(%arg8 : memref<!tpu.dma_semaphore, #tpu.memory_space<semaphore_mem>>)
    %dma_wait3A_142 = arith.constant 1 : i32
    %dma_wait3A_143 = arith.constant 0 : i32
    %dma_wait3A_144 = arith.constant 0 : i32
    %dma_wait3A_145 = tpu.memref_slice %arg6[%dma_wait3A_142, %dma_wait3A_143, %dma_wait3A_144] : memref<2x256x128xf32, #tpu.memory_space<vmem>> -> memref<1x256x128xf32, #tpu.memory_space<vmem>>
    %dma_wait3A_146 = tpu.memref_squeeze %dma_wait3A_145 : memref<1x256x128xf32, #tpu.memory_space<vmem>> -> memref<256x128xf32, #tpu.memory_space<vmem>>
    %dma_wait3A_147 = arith.constant 768 : i32
    %dma_wait3A_148 = tpu.memref_slice %arg5[%dma_wait3A_147] : memref<1024xi32, #tpu.memory_space<vmem>> -> memref<256xi32, #tpu.memory_space<vmem>>
    %dma_wait3A_149 = arith.constant 0 : i32
    %dma_wait3A_150 = arith.constant 0 : i32
    %dma_wait3A_151 = tpu.memref_slice %arg2[%dma_wait3A_149, %dma_wait3A_150] : memref<128x128xf32, #tpu.memory_space<hbm>> -> memref<128x128xf32, #tpu.memory_space<hbm>>
    tpu.wait_indirect_dma semaphore(%arg7 : memref<!tpu.dma_semaphore, #tpu.memory_space<semaphore_mem>>) src(%dma_wait3A_151 : memref<128x128xf32, #tpu.memory_space<hbm>>) dst(%dma_wait3A_146 : memref<256x128xf32, #tpu.memory_space<vmem>>)
    %add3A_152 = arith.constant 768 : i32
    %add3A_153 = arith.addi %mul3A_2, %add3A_152 : i32
    %dma_start3A_154 = arith.constant 1 : i32
    %dma_start3A_155 = arith.constant 0 : i32
    %dma_start3A_156 = arith.constant 0 : i32
    %dma_start3A_157 = tpu.memref_slice %arg6[%dma_start3A_154, %dma_start3A_155, %dma_start3A_156] : memref<2x256x128xf32, #tpu.memory_space<vmem>> -> memref<1x256x128xf32, #tpu.memory_space<vmem>>
    %dma_start3A_158 = tpu.memref_squeeze %dma_start3A_157 : memref<1x256x128xf32, #tpu.memory_space<vmem>> -> memref<256x128xf32, #tpu.memory_space<vmem>>
    %dma_start3A_159 = arith.constant 0 : i32
    %dma_start3A_160 = tpu.memref_slice %arg4[%add3A_153, %dma_start3A_159] : memref<32768x128xf32, #tpu.memory_space<hbm>> -> memref<256x128xf32, #tpu.memory_space<hbm>>
    %dma_start3A_161 = arith.constant 0 : i32
    %dma_start3A_162 = tpu.memref_slice %arg4[%add3A_153, %dma_start3A_161] : memref<32768x128xf32, #tpu.memory_space<hbm>> -> memref<256x128xf32, #tpu.memory_space<hbm>>
    %dma_start3A_163 = arith.constant 0 : i32
    %dma_start3A_164 = arith.constant 0 : i32
    %dma_start3A_165 = tpu.memref_slice %arg6[%dma_start3A_154, %dma_start3A_163, %dma_start3A_164] : memref<2x256x128xf32, #tpu.memory_space<vmem>> -> memref<1x256x128xf32, #tpu.memory_space<vmem>>
    %dma_start3A_166 = tpu.memref_squeeze %dma_start3A_165 : memref<1x256x128xf32, #tpu.memory_space<vmem>> -> memref<256x128xf32, #tpu.memory_space<vmem>>
    tpu.enqueue_dma source(%dma_start3A_166 : memref<256x128xf32, #tpu.memory_space<vmem>>) target(%dma_start3A_162 : memref<256x128xf32, #tpu.memory_space<hbm>>) target_semaphore(%arg8 : memref<!tpu.dma_semaphore, #tpu.memory_space<semaphore_mem>>)
    %dma_wait3A_167 = arith.constant 0 : i32
    %dma_wait3A_168 = arith.constant 0 : i32
    %dma_wait3A_169 = arith.constant 0 : i32
    %dma_wait3A_170 = tpu.memref_slice %arg6[%dma_wait3A_167, %dma_wait3A_168, %dma_wait3A_169] : memref<2x256x128xf32, #tpu.memory_space<vmem>> -> memref<1x256x128xf32, #tpu.memory_space<vmem>>
    %dma_wait3A_171 = tpu.memref_squeeze %dma_wait3A_170 : memref<1x256x128xf32, #tpu.memory_space<vmem>> -> memref<256x128xf32, #tpu.memory_space<vmem>>
    %dma_wait3A_172 = arith.constant 0 : i32
    %dma_wait3A_173 = tpu.memref_slice %arg4[%add3A_128, %dma_wait3A_172] : memref<32768x128xf32, #tpu.memory_space<hbm>> -> memref<256x128xf32, #tpu.memory_space<hbm>>
    %dma_wait3A_174 = arith.constant 0 : i32
    %dma_wait3A_175 = tpu.memref_slice %arg4[%add3A_128, %dma_wait3A_174] : memref<32768x128xf32, #tpu.memory_space<hbm>> -> memref<256x128xf32, #tpu.memory_space<hbm>>
    %dma_wait3A_176 = arith.constant 0 : i32
    %dma_wait3A_177 = arith.constant 0 : i32
    %dma_wait3A_178 = tpu.memref_slice %arg6[%dma_wait3A_167, %dma_wait3A_176, %dma_wait3A_177] : memref<2x256x128xf32, #tpu.memory_space<vmem>> -> memref<1x256x128xf32, #tpu.memory_space<vmem>>
    %dma_wait3A_179 = tpu.memref_squeeze %dma_wait3A_178 : memref<1x256x128xf32, #tpu.memory_space<vmem>> -> memref<256x128xf32, #tpu.memory_space<vmem>>
    tpu.wait_dma2 semaphore(%arg8 : memref<!tpu.dma_semaphore, #tpu.memory_space<semaphore_mem>>) src(%dma_wait3A_179 : memref<256x128xf32, #tpu.memory_space<vmem>>) dst(%dma_wait3A_175 : memref<256x128xf32, #tpu.memory_space<hbm>>)
    %dma_wait3A_180 = arith.constant 1 : i32
    %dma_wait3A_181 = arith.constant 0 : i32
    %dma_wait3A_182 = arith.constant 0 : i32
    %dma_wait3A_183 = tpu.memref_slice %arg6[%dma_wait3A_180, %dma_wait3A_181, %dma_wait3A_182] : memref<2x256x128xf32, #tpu.memory_space<vmem>> -> memref<1x256x128xf32, #tpu.memory_space<vmem>>
    %dma_wait3A_184 = tpu.memref_squeeze %dma_wait3A_183 : memref<1x256x128xf32, #tpu.memory_space<vmem>> -> memref<256x128xf32, #tpu.memory_space<vmem>>
    %dma_wait3A_185 = arith.constant 0 : i32
    %dma_wait3A_186 = tpu.memref_slice %arg4[%add3A_153, %dma_wait3A_185] : memref<32768x128xf32, #tpu.memory_space<hbm>> -> memref<256x128xf32, #tpu.memory_space<hbm>>
    %dma_wait3A_187 = arith.constant 0 : i32
    %dma_wait3A_188 = tpu.memref_slice %arg4[%add3A_153, %dma_wait3A_187] : memref<32768x128xf32, #tpu.memory_space<hbm>> -> memref<256x128xf32, #tpu.memory_space<hbm>>
    %dma_wait3A_189 = arith.constant 0 : i32
    %dma_wait3A_190 = arith.constant 0 : i32
    %dma_wait3A_191 = tpu.memref_slice %arg6[%dma_wait3A_180, %dma_wait3A_189, %dma_wait3A_190] : memref<2x256x128xf32, #tpu.memory_space<vmem>> -> memref<1x256x128xf32, #tpu.memory_space<vmem>>
    %dma_wait3A_192 = tpu.memref_squeeze %dma_wait3A_191 : memref<1x256x128xf32, #tpu.memory_space<vmem>> -> memref<256x128xf32, #tpu.memory_space<vmem>>
    tpu.wait_dma2 semaphore(%arg8 : memref<!tpu.dma_semaphore, #tpu.memory_space<semaphore_mem>>) src(%dma_wait3A_192 : memref<256x128xf32, #tpu.memory_space<vmem>>) dst(%dma_wait3A_188 : memref<256x128xf32, #tpu.memory_space<hbm>>)
    return
  }
}

module attributes {stable_mosaic.version = 14 : i64} {
  func.func @_quant_body(%arg0: i32, %arg1: i32, %arg2: memref<1x128x2048xf32, #tpu.memory_space<vmem>>, %arg3: memref<1x128x2048xf32, #tpu.memory_space<vmem>>, %arg4: memref<1x128x2048xbf16, #tpu.memory_space<vmem>>, %arg5: memref<1x1x2048xf32, #tpu.memory_space<vmem>>, %arg6: memref<1x128x2048xbf16, #tpu.memory_space<vmem>>) attributes {dimension_semantics = [#tpu.dimension_semantics<arbitrary>, #tpu.dimension_semantics<arbitrary>], iteration_bounds = array<i64: 2, 8>, scalar_prefetch = 0 : i64, scratch_operands = 0 : i64, tpu.core_type = #tpu.core_type<tc>, window_params = [{transform_indices = @transform_0, window_bounds = array<i64: 1, 128, 2048>}, {transform_indices = @transform_1, window_bounds = array<i64: 1, 128, 2048>}, {transform_indices = @transform_2, window_bounds = array<i64: 1, 128, 2048>}, {transform_indices = @transform_3, window_bounds = array<i64: 1, 1, 2048>}, {transform_indices = @transform_4, window_bounds = array<i64: 1, 128, 2048>}]} {
    %get3A = arith.constant 0 : index
    %get3A_0 = arith.constant 0 : index
    %get3A_1 = arith.constant 0 : index
    %get3A_2 = vector.load %arg2[%get3A, %get3A_0, %get3A_1] : memref<1x128x2048xf32, #tpu.memory_space<vmem>>, vector<1x128x2048xf32>
    %get3A_3 = vector.shape_cast %get3A_2 : vector<1x128x2048xf32> to vector<128x2048xf32>
    %get3A_4 = arith.constant 0 : index
    %get3A_5 = arith.constant 0 : index
    %get3A_6 = arith.constant 0 : index
    %get3A_7 = vector.load %arg3[%get3A_4, %get3A_5, %get3A_6] : memref<1x128x2048xf32, #tpu.memory_space<vmem>>, vector<1x128x2048xf32>
    %get3A_8 = vector.shape_cast %get3A_7 : vector<1x128x2048xf32> to vector<128x2048xf32>
    %sub3A = arith.subf %get3A_3, %get3A_8 : vector<128x2048xf32>
    %mul3A = arith.mulf %sub3A, %sub3A : vector<128x2048xf32>
    %reduce_sum3A = arith.constant dense<0.000000e+00> : vector<2048xf32>
    %reduce_sum3A_9 = vector.multi_reduction <add>, %mul3A, %reduce_sum3A [0] : vector<128x2048xf32> to vector<2048xf32>
    %broadcast_in_dim3A = vector.shape_cast %reduce_sum3A_9 : vector<2048xf32> to vector<1x2048xf32>
    %sqrt3A = math.sqrt %broadcast_in_dim3A : vector<1x2048xf32>
    %get3A_10 = arith.constant 0 : index
    %get3A_11 = arith.constant 0 : index
    %get3A_12 = arith.constant 0 : index
    %get3A_13 = vector.load %arg5[%get3A_10, %get3A_11, %get3A_12] : memref<1x1x2048xf32, #tpu.memory_space<vmem>>, vector<1x1x2048xf32>
    %get3A_14 = vector.shape_cast %get3A_13 : vector<1x1x2048xf32> to vector<1x2048xf32>
    %div3A = arith.divf %sqrt3A, %get3A_14 : vector<1x2048xf32>
    %add3A = arith.constant 9.99999997E-7 : f32
    %add3A_15 = vector.broadcast %add3A : f32 to vector<1x2048xf32>
    %add3A_16 = arith.addf %div3A, %add3A_15 : vector<1x2048xf32>
    %get3A_17 = arith.constant 0 : index
    %get3A_18 = arith.constant 0 : index
    %get3A_19 = arith.constant 0 : index
    %get3A_20 = vector.load %arg4[%get3A_17, %get3A_18, %get3A_19] : memref<1x128x2048xbf16, #tpu.memory_space<vmem>>, vector<1x128x2048xbf16>
    %get3A_21 = vector.shape_cast %get3A_20 : vector<1x128x2048xbf16> to vector<128x2048xbf16>
    %convert_element_type3A = arith.extf %get3A_21 : vector<128x2048xbf16> to vector<128x2048xf32>
    %mul3A_22 = vector.broadcast %add3A_16 : vector<1x2048xf32> to vector<128x2048xf32>
    %mul3A_23 = arith.mulf %mul3A_22, %convert_element_type3A : vector<128x2048xf32>
    %add3A_24 = arith.addf %get3A_3, %mul3A_23 : vector<128x2048xf32>
    %convert_element_type3A_25 = arith.truncf %add3A_24 : vector<128x2048xf32> to vector<128x2048xbf16>
    %swap3A = arith.constant 0 : index
    %swap3A_26 = arith.constant 0 : index
    %swap3A_27 = arith.constant 0 : index
    %swap3A_28 = vector.load %arg6[%swap3A, %swap3A_26, %swap3A_27] : memref<1x128x2048xbf16, #tpu.memory_space<vmem>>, vector<1x128x2048xbf16>
    %swap3A_29 = vector.shape_cast %swap3A_28 : vector<1x128x2048xbf16> to vector<128x2048xbf16>
    %swap3A_30 = vector.shape_cast %convert_element_type3A_25 : vector<128x2048xbf16> to vector<1x128x2048xbf16>
    tpu.vector_store %arg6[%swap3A, %swap3A_26, %swap3A_27], %swap3A_30 {strides = array<i32>} : memref<1x128x2048xbf16, #tpu.memory_space<vmem>>, vector<1x128x2048xbf16>,
    return
  }
  func.func @transform_0(%arg0: i32, %arg1: i32) -> (i32, i32, i32) {
    %c0_i32 = arith.constant 0 : i32
    %c0_i32_0 = arith.constant 0 : i32
    return %arg0, %c0_i32, %arg1 : i32, i32, i32
  }
  func.func @transform_1(%arg0: i32, %arg1: i32) -> (i32, i32, i32) {
    %c0_i32 = arith.constant 0 : i32
    %c0_i32_0 = arith.constant 0 : i32
    return %arg0, %c0_i32, %arg1 : i32, i32, i32
  }
  func.func @transform_2(%arg0: i32, %arg1: i32) -> (i32, i32, i32) {
    %c0_i32 = arith.constant 0 : i32
    %c0_i32_0 = arith.constant 0 : i32
    return %arg0, %c0_i32, %arg1 : i32, i32, i32
  }
  func.func @transform_3(%arg0: i32, %arg1: i32) -> (i32, i32, i32) {
    %c0_i32 = arith.constant 0 : i32
    %c0_i32_0 = arith.constant 0 : i32
    return %arg0, %c0_i32, %arg1 : i32, i32, i32
  }
  func.func @transform_4(%arg0: i32, %arg1: i32) -> (i32, i32, i32) {
    %c0_i32 = arith.constant 0 : i32
    %c0_i32_0 = arith.constant 0 : i32
    return %arg0, %c0_i32, %arg1 : i32, i32, i32
  }
}

module attributes {stable_mosaic.version = 14 : i64} {
  func.func @_conv_argmin_body(%arg0: i32, %arg1: i32, %arg2: memref<1x96x128x128xf32, #tpu.memory_space<vmem>>, %arg3: memref<1x96x128x128xf32, #tpu.memory_space<vmem>>, %arg4: memref<3x128x576xf32, #tpu.memory_space<vmem>>, %arg5: memref<128x128xf32, #tpu.memory_space<vmem>>, %arg6: memref<1x128x2048xf32, #tpu.memory_space<vmem>>, %arg7: memref<1x16x128xi32, #tpu.memory_space<vmem>>, %arg8: memref<96x16640xf32, #tpu.memory_space<vmem>>, %arg9: memref<96x16640xf32, #tpu.memory_space<vmem>>) attributes {dimension_semantics = [#tpu.dimension_semantics<arbitrary>, #tpu.dimension_semantics<arbitrary>], iteration_bounds = array<i64: 2, 8>, scalar_prefetch = 0 : i64, scratch_operands = 2 : i64, tpu.core_type = #tpu.core_type<tc>, window_params = [{transform_indices = @transform_0, window_bounds = array<i64: 1, 96, 128, 128>}, {transform_indices = @transform_1, window_bounds = array<i64: 1, 96, 128, 128>}, {pipeline_mode = #tpu.pipeline_mode<synchronous>, transform_indices = @transform_2, window_bounds = array<i64: 3, 128, 576>}, {pipeline_mode = #tpu.pipeline_mode<synchronous>, transform_indices = @transform_3, window_bounds = array<i64: 128, 128>}, {transform_indices = @transform_4, window_bounds = array<i64: 1, 128, 2048>}, {transform_indices = @transform_5, window_bounds = array<i64: 1, 16, 128>}]} {
    %eq3A = arith.constant 0 : i32
    %eq3A_0 = arith.cmpi eq, %arg1, %eq3A : i32
    %convert_element_type3A = arith.extui %eq3A_0 : i1 to i32
    %cond3A = arith.constant 0 : i32
    %cond3A_1 = arith.cmpi ne, %convert_element_type3A, %cond3A : i32
    scf.if %cond3A_1 {
      %broadcast_in_dim3A_134 = arith.constant 0.000000e+00 : f32
      %broadcast_in_dim3A_135 = vector.broadcast %broadcast_in_dim3A_134 : f32 to vector<96x128xf32>
      %swap3A_136 = arith.constant 0 : index
      %swap3A_137 = arith.constant 0 : index
      %swap3A_138 = vector.load %arg8[%swap3A_136, %swap3A_137] : memref<96x16640xf32, #tpu.memory_space<vmem>>, vector<96x128xf32>
      tpu.vector_store %arg8[%swap3A_136, %swap3A_137], %broadcast_in_dim3A_135 {strides = array<i32>} : memref<96x16640xf32, #tpu.memory_space<vmem>>, vector<96x128xf32>,
      %swap3A_139 = arith.constant 0 : index
      %swap3A_140 = arith.constant 16512 : index
      %swap3A_141 = vector.load %arg8[%swap3A_139, %swap3A_140] : memref<96x16640xf32, #tpu.memory_space<vmem>>, vector<96x128xf32>
      tpu.vector_store %arg8[%swap3A_139, %swap3A_140], %broadcast_in_dim3A_135 {strides = array<i32>} : memref<96x16640xf32, #tpu.memory_space<vmem>>, vector<96x128xf32>,
      %get3A_142 = arith.constant 0 : index
      %get3A_143 = arith.constant 0 : index
      %get3A_144 = arith.constant 0 : index
      %get3A_145 = arith.constant 0 : index
      %get3A_146 = vector.load %arg2[%get3A_142, %get3A_143, %get3A_144, %get3A_145] : memref<1x96x128x128xf32, #tpu.memory_space<vmem>>, vector<1x96x128x128xf32>
      %get3A_147 = vector.shape_cast %get3A_146 : vector<1x96x128x128xf32> to vector<96x128x128xf32>
      %reshape3A_148 = vector.shape_cast %get3A_147 : vector<96x128x128xf32> to vector<96x16384xf32>
      %swap3A_149 = arith.constant 0 : index
      %swap3A_150 = arith.constant 128 : index
      %swap3A_151 = vector.load %arg8[%swap3A_149, %swap3A_150] : memref<96x16640xf32, #tpu.memory_space<vmem>>, vector<96x16384xf32>
      tpu.vector_store %arg8[%swap3A_149, %swap3A_150], %reshape3A_148 {strides = array<i32>} : memref<96x16640xf32, #tpu.memory_space<vmem>>, vector<96x16384xf32>,
      %swap3A_152 = arith.constant 0 : index
      %swap3A_153 = arith.constant 0 : index
      %swap3A_154 = vector.load %arg9[%swap3A_152, %swap3A_153] : memref<96x16640xf32, #tpu.memory_space<vmem>>, vector<96x128xf32>
      tpu.vector_store %arg9[%swap3A_152, %swap3A_153], %broadcast_in_dim3A_135 {strides = array<i32>} : memref<96x16640xf32, #tpu.memory_space<vmem>>, vector<96x128xf32>,
      %swap3A_155 = arith.constant 0 : index
      %swap3A_156 = arith.constant 16512 : index
      %swap3A_157 = vector.load %arg9[%swap3A_155, %swap3A_156] : memref<96x16640xf32, #tpu.memory_space<vmem>>, vector<96x128xf32>
      tpu.vector_store %arg9[%swap3A_155, %swap3A_156], %broadcast_in_dim3A_135 {strides = array<i32>} : memref<96x16640xf32, #tpu.memory_space<vmem>>, vector<96x128xf32>,
      %get3A_158 = arith.constant 0 : index
      %get3A_159 = arith.constant 0 : index
      %get3A_160 = arith.constant 0 : index
      %get3A_161 = arith.constant 0 : index
      %get3A_162 = vector.load %arg3[%get3A_158, %get3A_159, %get3A_160, %get3A_161] : memref<1x96x128x128xf32, #tpu.memory_space<vmem>>, vector<1x96x128x128xf32>
      %get3A_163 = vector.shape_cast %get3A_162 : vector<1x96x128x128xf32> to vector<96x128x128xf32>
      %reshape3A_164 = vector.shape_cast %get3A_163 : vector<96x128x128xf32> to vector<96x16384xf32>
      %swap3A_165 = arith.constant 0 : index
      %swap3A_166 = arith.constant 128 : index
      %swap3A_167 = vector.load %arg9[%swap3A_165, %swap3A_166] : memref<96x16640xf32, #tpu.memory_space<vmem>>, vector<96x16384xf32>
      tpu.vector_store %arg9[%swap3A_165, %swap3A_166], %reshape3A_164 {strides = array<i32>} : memref<96x16640xf32, #tpu.memory_space<vmem>>, vector<96x16384xf32>,
    } else {
    }
    %mul3A = arith.constant 2048 : i32
    %mul3A_2 = arith.muli %arg1, %mul3A : i32
    %multiple_of3A = tpu.assume_multiple %mul3A_2, 2048 : i32
    %iota3A = tpu.iota {dimensions = array<i32: 1>} : vector<1x2304xi32>
    %rem3A = arith.constant 128 : i32
    %rem3A_3 = vector.broadcast %rem3A : i32 to vector<1x2304xi32>
    %rem3A_4 = arith.remsi %iota3A, %rem3A_3 : vector<1x2304xi32>
    %get3A = arith.constant 0 : index
    %get3A_5 = arith.index_cast %multiple_of3A : i32 to index
    %get3A_6 = vector.load %arg8[%get3A, %get3A_5] : memref<96x16640xf32, #tpu.memory_space<vmem>>, vector<96x2304xf32>
    %ne3A = arith.constant 0 : i32
    %ne3A_7 = vector.broadcast %ne3A : i32 to vector<1x2304xi32>
    %ne3A_8 = arith.cmpi ne, %rem3A_4, %ne3A_7 : vector<1x2304xi32>
    %slice3A = vector.extract_strided_slice %get3A_6 {offsets = [0, 2303], sizes = [96, 1], strides = [1, 1]} : vector<96x2304xf32> to vector<96x1xf32>
    %slice3A_9 = vector.extract_strided_slice %get3A_6 {offsets = [0, 0], sizes = [96, 2303], strides = [1, 1]} : vector<96x2304xf32> to vector<96x2303xf32>
    %concatenate3A = tpu.concatenate %slice3A, %slice3A_9 in 1 : vector<96x1xf32>, vector<96x2303xf32> -> vector<96x2304xf32>
    %jit3A = arith.constant 0.000000e+00 : f32
    %broadcast_in_dim3A = vector.shape_cast %ne3A_8 : vector<1x2304xi1> to vector<1x2304xi1>
    %broadcast_in_dim3A_10 = vector.broadcast %broadcast_in_dim3A : vector<1x2304xi1> to vector<96x2304xi1>
    %broadcast_in_dim3A_11 = vector.broadcast %jit3A : f32 to vector<96x2304xf32>
    %select_n3A = arith.select %broadcast_in_dim3A_10, %concatenate3A, %broadcast_in_dim3A_11 : vector<96x2304xi1>, vector<96x2304xf32>
    %ne3A_12 = arith.constant 127 : i32
    %ne3A_13 = vector.broadcast %ne3A_12 : i32 to vector<1x2304xi32>
    %ne3A_14 = arith.cmpi ne, %rem3A_4, %ne3A_13 : vector<1x2304xi32>
    %slice3A_15 = vector.extract_strided_slice %get3A_6 {offsets = [0, 1], sizes = [96, 2303], strides = [1, 1]} : vector<96x2304xf32> to vector<96x2303xf32>
    %slice3A_16 = vector.extract_strided_slice %get3A_6 {offsets = [0, 0], sizes = [96, 1], strides = [1, 1]} : vector<96x2304xf32> to vector<96x1xf32>
    %concatenate3A_17 = tpu.concatenate %slice3A_15, %slice3A_16 in 1 : vector<96x2303xf32>, vector<96x1xf32> -> vector<96x2304xf32>
    %jit3A_18 = arith.constant 0.000000e+00 : f32
    %broadcast_in_dim3A_19 = vector.shape_cast %ne3A_14 : vector<1x2304xi1> to vector<1x2304xi1>
    %broadcast_in_dim3A_20 = vector.broadcast %broadcast_in_dim3A_19 : vector<1x2304xi1> to vector<96x2304xi1>
    %broadcast_in_dim3A_21 = vector.broadcast %jit3A_18 : f32 to vector<96x2304xf32>
    %select_n3A_22 = arith.select %broadcast_in_dim3A_20, %concatenate3A_17, %broadcast_in_dim3A_21 : vector<96x2304xi1>, vector<96x2304xf32>
    %get3A_23 = arith.constant 0 : index
    %get3A_24 = arith.index_cast %multiple_of3A : i32 to index
    %get3A_25 = vector.load %arg9[%get3A_23, %get3A_24] : memref<96x16640xf32, #tpu.memory_space<vmem>>, vector<96x2304xf32>
    %ne3A_26 = arith.constant 0 : i32
    %ne3A_27 = vector.broadcast %ne3A_26 : i32 to vector<1x2304xi32>
    %ne3A_28 = arith.cmpi ne, %rem3A_4, %ne3A_27 : vector<1x2304xi32>
    %slice3A_29 = vector.extract_strided_slice %get3A_25 {offsets = [0, 2303], sizes = [96, 1], strides = [1, 1]} : vector<96x2304xf32> to vector<96x1xf32>
    %slice3A_30 = vector.extract_strided_slice %get3A_25 {offsets = [0, 0], sizes = [96, 2303], strides = [1, 1]} : vector<96x2304xf32> to vector<96x2303xf32>
    %concatenate3A_31 = tpu.concatenate %slice3A_29, %slice3A_30 in 1 : vector<96x1xf32>, vector<96x2303xf32> -> vector<96x2304xf32>
    %jit3A_32 = arith.constant 0.000000e+00 : f32
    %broadcast_in_dim3A_33 = vector.shape_cast %ne3A_28 : vector<1x2304xi1> to vector<1x2304xi1>
    %broadcast_in_dim3A_34 = vector.broadcast %broadcast_in_dim3A_33 : vector<1x2304xi1> to vector<96x2304xi1>
    %broadcast_in_dim3A_35 = vector.broadcast %jit3A_32 : f32 to vector<96x2304xf32>
    %select_n3A_36 = arith.select %broadcast_in_dim3A_34, %concatenate3A_31, %broadcast_in_dim3A_35 : vector<96x2304xi1>, vector<96x2304xf32>
    %ne3A_37 = arith.constant 127 : i32
    %ne3A_38 = vector.broadcast %ne3A_37 : i32 to vector<1x2304xi32>
    %ne3A_39 = arith.cmpi ne, %rem3A_4, %ne3A_38 : vector<1x2304xi32>
    %slice3A_40 = vector.extract_strided_slice %get3A_25 {offsets = [0, 1], sizes = [96, 2303], strides = [1, 1]} : vector<96x2304xf32> to vector<96x2303xf32>
    %slice3A_41 = vector.extract_strided_slice %get3A_25 {offsets = [0, 0], sizes = [96, 1], strides = [1, 1]} : vector<96x2304xf32> to vector<96x1xf32>
    %concatenate3A_42 = tpu.concatenate %slice3A_40, %slice3A_41 in 1 : vector<96x2303xf32>, vector<96x1xf32> -> vector<96x2304xf32>
    %jit3A_43 = arith.constant 0.000000e+00 : f32
    %broadcast_in_dim3A_44 = vector.shape_cast %ne3A_39 : vector<1x2304xi1> to vector<1x2304xi1>
    %broadcast_in_dim3A_45 = vector.broadcast %broadcast_in_dim3A_44 : vector<1x2304xi1> to vector<96x2304xi1>
    %broadcast_in_dim3A_46 = vector.broadcast %jit3A_43 : f32 to vector<96x2304xf32>
    %select_n3A_47 = arith.select %broadcast_in_dim3A_45, %concatenate3A_42, %broadcast_in_dim3A_46 : vector<96x2304xi1>, vector<96x2304xf32>
    %concatenate3A_48 = tpu.concatenate %select_n3A, %get3A_6, %select_n3A_22, %select_n3A_36, %get3A_25, %select_n3A_47 in 0 : vector<96x2304xf32>, vector<96x2304xf32>, vector<96x2304xf32>, vector<96x2304xf32>, vector<96x2304xf32>, vector<96x2304xf32> -> vector<576x2304xf32>
    %broadcast_in_dim3A_49 = arith.constant 0.000000e+00 : f32
    %broadcast_in_dim3A_50 = vector.broadcast %broadcast_in_dim3A_49 : f32 to vector<128x2048xf32>
    %slice3A_51 = vector.extract_strided_slice %concatenate3A_48 {offsets = [0, 0], sizes = [576, 2048], strides = [1, 1]} : vector<576x2304xf32> to vector<576x2048xf32>
    %get3A_52 = arith.constant 0 : index
    %get3A_53 = arith.constant 0 : index
    %get3A_54 = arith.constant 0 : index
    %get3A_55 = vector.load %arg4[%get3A_52, %get3A_53, %get3A_54] : memref<3x128x576xf32, #tpu.memory_space<vmem>>, vector<1x128x576xf32>
    %get3A_56 = vector.shape_cast %get3A_55 : vector<1x128x576xf32> to vector<128x576xf32>
    %dot_general3A = arith.constant dense<0.000000e+00> : vector<128x2048xf32>
    %dot_general3A_57 = tpu.matmul %get3A_56, %slice3A_51, %dot_general3A {dimension_numbers = #tpu.dot_dimension_numbers<[1], [0], [0], [1], [0, 0, 1, 1], [], []>, transpose_lhs_hint = false} : vector<128x576xf32>, vector<576x2048xf32>, vector<128x2048xf32> -> vector<128x2048xf32>
    %add3A = arith.addf %broadcast_in_dim3A_50, %dot_general3A_57 : vector<128x2048xf32>
    %slice3A_58 = vector.extract_strided_slice %concatenate3A_48 {offsets = [0, 128], sizes = [576, 2048], strides = [1, 1]} : vector<576x2304xf32> to vector<576x2048xf32>
    %get3A_59 = arith.constant 1 : index
    %get3A_60 = arith.constant 0 : index
    %get3A_61 = arith.constant 0 : index
    %get3A_62 = vector.load %arg4[%get3A_59, %get3A_60, %get3A_61] : memref<3x128x576xf32, #tpu.memory_space<vmem>>, vector<1x128x576xf32>
    %get3A_63 = vector.shape_cast %get3A_62 : vector<1x128x576xf32> to vector<128x576xf32>
    %dot_general3A_64 = arith.constant dense<0.000000e+00> : vector<128x2048xf32>
    %dot_general3A_65 = tpu.matmul %get3A_63, %slice3A_58, %dot_general3A_64 {dimension_numbers = #tpu.dot_dimension_numbers<[1], [0], [0], [1], [0, 0, 1, 1], [], []>, transpose_lhs_hint = false} : vector<128x576xf32>, vector<576x2048xf32>, vector<128x2048xf32> -> vector<128x2048xf32>
    %add3A_66 = arith.addf %add3A, %dot_general3A_65 : vector<128x2048xf32>
    %slice3A_67 = vector.extract_strided_slice %concatenate3A_48 {offsets = [0, 256], sizes = [576, 2048], strides = [1, 1]} : vector<576x2304xf32> to vector<576x2048xf32>
    %get3A_68 = arith.constant 2 : index
    %get3A_69 = arith.constant 0 : index
    %get3A_70 = arith.constant 0 : index
    %get3A_71 = vector.load %arg4[%get3A_68, %get3A_69, %get3A_70] : memref<3x128x576xf32, #tpu.memory_space<vmem>>, vector<1x128x576xf32>
    %get3A_72 = vector.shape_cast %get3A_71 : vector<1x128x576xf32> to vector<128x576xf32>
    %dot_general3A_73 = arith.constant dense<0.000000e+00> : vector<128x2048xf32>
    %dot_general3A_74 = tpu.matmul %get3A_72, %slice3A_67, %dot_general3A_73 {dimension_numbers = #tpu.dot_dimension_numbers<[1], [0], [0], [1], [0, 0, 1, 1], [], []>, transpose_lhs_hint = false} : vector<128x576xf32>, vector<576x2048xf32>, vector<128x2048xf32> -> vector<128x2048xf32>
    %add3A_75 = arith.addf %add3A_66, %dot_general3A_74 : vector<128x2048xf32>
    %swap3A = arith.constant 0 : index
    %swap3A_76 = arith.constant 0 : index
    %swap3A_77 = arith.constant 0 : index
    %swap3A_78 = vector.load %arg6[%swap3A, %swap3A_76, %swap3A_77] : memref<1x128x2048xf32, #tpu.memory_space<vmem>>, vector<1x128x2048xf32>
    %swap3A_79 = vector.shape_cast %swap3A_78 : vector<1x128x2048xf32> to vector<128x2048xf32>
    %swap3A_80 = vector.shape_cast %add3A_75 : vector<128x2048xf32> to vector<1x128x2048xf32>
    tpu.vector_store %arg6[%swap3A, %swap3A_76, %swap3A_77], %swap3A_80 {strides = array<i32>} : memref<1x128x2048xf32, #tpu.memory_space<vmem>>, vector<1x128x2048xf32>,
    %slice3A_81 = vector.extract_strided_slice %add3A_75 {offsets = [0, 0], sizes = [128, 128], strides = [1, 1]} : vector<128x2048xf32> to vector<128x128xf32>
    %slice3A_82 = vector.extract_strided_slice %add3A_75 {offsets = [0, 128], sizes = [128, 128], strides = [1, 1]} : vector<128x2048xf32> to vector<128x128xf32>
    %slice3A_83 = vector.extract_strided_slice %add3A_75 {offsets = [0, 256], sizes = [128, 128], strides = [1, 1]} : vector<128x2048xf32> to vector<128x128xf32>
    %slice3A_84 = vector.extract_strided_slice %add3A_75 {offsets = [0, 384], sizes = [128, 128], strides = [1, 1]} : vector<128x2048xf32> to vector<128x128xf32>
    %slice3A_85 = vector.extract_strided_slice %add3A_75 {offsets = [0, 512], sizes = [128, 128], strides = [1, 1]} : vector<128x2048xf32> to vector<128x128xf32>
    %slice3A_86 = vector.extract_strided_slice %add3A_75 {offsets = [0, 640], sizes = [128, 128], strides = [1, 1]} : vector<128x2048xf32> to vector<128x128xf32>
    %slice3A_87 = vector.extract_strided_slice %add3A_75 {offsets = [0, 768], sizes = [128, 128], strides = [1, 1]} : vector<128x2048xf32> to vector<128x128xf32>
    %slice3A_88 = vector.extract_strided_slice %add3A_75 {offsets = [0, 896], sizes = [128, 128], strides = [1, 1]} : vector<128x2048xf32> to vector<128x128xf32>
    %slice3A_89 = vector.extract_strided_slice %add3A_75 {offsets = [0, 1024], sizes = [128, 128], strides = [1, 1]} : vector<128x2048xf32> to vector<128x128xf32>
    %slice3A_90 = vector.extract_strided_slice %add3A_75 {offsets = [0, 1152], sizes = [128, 128], strides = [1, 1]} : vector<128x2048xf32> to vector<128x128xf32>
    %slice3A_91 = vector.extract_strided_slice %add3A_75 {offsets = [0, 1280], sizes = [128, 128], strides = [1, 1]} : vector<128x2048xf32> to vector<128x128xf32>
    %slice3A_92 = vector.extract_strided_slice %add3A_75 {offsets = [0, 1408], sizes = [128, 128], strides = [1, 1]} : vector<128x2048xf32> to vector<128x128xf32>
    %slice3A_93 = vector.extract_strided_slice %add3A_75 {offsets = [0, 1536], sizes = [128, 128], strides = [1, 1]} : vector<128x2048xf32> to vector<128x128xf32>
    %slice3A_94 = vector.extract_strided_slice %add3A_75 {offsets = [0, 1664], sizes = [128, 128], strides = [1, 1]} : vector<128x2048xf32> to vector<128x128xf32>
    %slice3A_95 = vector.extract_strided_slice %add3A_75 {offsets = [0, 1792], sizes = [128, 128], strides = [1, 1]} : vector<128x2048xf32> to vector<128x128xf32>
    %slice3A_96 = vector.extract_strided_slice %add3A_75 {offsets = [0, 1920], sizes = [128, 128], strides = [1, 1]} : vector<128x2048xf32> to vector<128x128xf32>
    %concatenate3A_97 = tpu.concatenate %slice3A_81, %slice3A_82, %slice3A_83, %slice3A_84, %slice3A_85, %slice3A_86, %slice3A_87, %slice3A_88, %slice3A_89, %slice3A_90, %slice3A_91, %slice3A_92, %slice3A_93, %slice3A_94, %slice3A_95, %slice3A_96 in 0 : vector<128x128xf32>, vector<128x128xf32>, vector<128x128xf32>, vector<128x128xf32>, vector<128x128xf32>, vector<128x128xf32>, vector<128x128xf32>, vector<128x128xf32>, vector<128x128xf32>, vector<128x128xf32>, vector<128x128xf32>, vector<128x128xf32>, vector<128x128xf32>, vector<128x128xf32>, vector<128x128xf32>, vector<128x128xf32> -> vector<2048x128xf32>
    %get3A_98 = arith.constant 0 : index
    %get3A_99 = arith.constant 0 : index
    %get3A_100 = vector.load %arg5[%get3A_98, %get3A_99] : memref<128x128xf32, #tpu.memory_space<vmem>>, vector<128x128xf32>
    %dot_general3A_101 = arith.constant dense<0.000000e+00> : vector<2048x128xf32>
    %dot_general3A_102 = tpu.matmul %concatenate3A_97, %get3A_100, %dot_general3A_101 {dimension_numbers = #tpu.dot_dimension_numbers<[1], [1], [0], [0], [0, 0, 1, 0], [], []>, transpose_lhs_hint = false} : vector<2048x128xf32>, vector<128x128xf32>, vector<2048x128xf32> -> vector<2048x128xf32>
    %mul3A_103 = arith.mulf %concatenate3A_97, %concatenate3A_97 : vector<2048x128xf32>
    %reduce_sum3A = arith.constant dense<0.000000e+00> : vector<2048xf32>
    %reduce_sum3A_104 = vector.multi_reduction <add>, %mul3A_103, %reduce_sum3A [1] : vector<2048x128xf32> to vector<2048xf32>
    %broadcast_in_dim3A_105 = vector.shape_cast %reduce_sum3A_104 : vector<2048xf32> to vector<2048x1xf32>
    %mul3A_106 = arith.mulf %get3A_100, %get3A_100 : vector<128x128xf32>
    %reduce_sum3A_107 = arith.constant dense<0.000000e+00> : vector<128xf32>
    %reduce_sum3A_108 = vector.multi_reduction <add>, %mul3A_106, %reduce_sum3A_107 [1] : vector<128x128xf32> to vector<128xf32>
    %reshape3A = vector.shape_cast %reduce_sum3A_108 : vector<128xf32> to vector<1x128xf32>
    %add3A_109 = vector.broadcast %broadcast_in_dim3A_105 : vector<2048x1xf32> to vector<2048x128xf32>
    %add3A_110 = vector.broadcast %reshape3A : vector<1x128xf32> to vector<2048x128xf32>
    %add3A_111 = arith.addf %add3A_109, %add3A_110 : vector<2048x128xf32>
    %mul3A_112 = arith.constant 2.000000e+00 : f32
    %mul3A_113 = vector.broadcast %mul3A_112 : f32 to vector<2048x128xf32>
    %mul3A_114 = arith.mulf %mul3A_113, %dot_general3A_102 : vector<2048x128xf32>
    %sub3A = arith.subf %add3A_111, %mul3A_114 : vector<2048x128xf32>
    %max3A = arith.constant 0.000000e+00 : f32
    %max3A_115 = vector.broadcast %max3A : f32 to vector<2048x128xf32>
    %max3A_116 = arith.maximumf %sub3A, %max3A_115 : vector<2048x128xf32>
    %sqrt3A = math.sqrt %max3A_116 : vector<2048x128xf32>
    %reshape3A_117 = vector.shape_cast %sqrt3A : vector<2048x128xf32> to vector<16x128x128xf32>
    %iota3A_118 = tpu.iota {dimensions = array<i32: 1>} : vector<16x128x128xi32>
    %reduce_min3A = arith.constant dense<0x7F800000> : vector<16x128xf32>
    %reduce_min3A_119 = vector.multi_reduction <minimumf>, %reshape3A_117, %reduce_min3A [1] : vector<16x128x128xf32> to vector<16x128xf32>
    %broadcast_in_dim3A_120 = vector.shape_cast %reduce_min3A_119 : vector<16x128xf32> to vector<16x1x128xf32>
    %eq3A_121 = vector.broadcast %broadcast_in_dim3A_120 : vector<16x1x128xf32> to vector<16x128x128xf32>
    %eq3A_122 = arith.cmpf oeq, %reshape3A_117, %eq3A_121 : vector<16x128x128xf32>
    %jit3A_123 = arith.constant 128 : i32
    %broadcast_in_dim3A_124 = vector.broadcast %jit3A_123 : i32 to vector<16x128x128xi32>
    %select_n3A_125 = arith.select %eq3A_122, %iota3A_118, %broadcast_in_dim3A_124 : vector<16x128x128xi1>, vector<16x128x128xi32>
    %reduce_min3A_126 = arith.constant dense<2147483647> : vector<16x128xi32>
    %reduce_min3A_127 = vector.multi_reduction <minsi>, %select_n3A_125, %reduce_min3A_126 [1] : vector<16x128x128xi32> to vector<16x128xi32>
    %swap3A_128 = arith.constant 0 : index
    %swap3A_129 = arith.constant 0 : index
    %swap3A_130 = arith.constant 0 : index
    %swap3A_131 = vector.load %arg7[%swap3A_128, %swap3A_129, %swap3A_130] : memref<1x16x128xi32, #tpu.memory_space<vmem>>, vector<1x16x128xi32>
    %swap3A_132 = vector.shape_cast %swap3A_131 : vector<1x16x128xi32> to vector<16x128xi32>
    %swap3A_133 = vector.shape_cast %reduce_min3A_127 : vector<16x128xi32> to vector<1x16x128xi32>
    tpu.vector_store %arg7[%swap3A_128, %swap3A_129, %swap3A_130], %swap3A_133 {strides = array<i32>} : memref<1x16x128xi32, #tpu.memory_space<vmem>>, vector<1x16x128xi32>,
    return
  }
  func.func @transform_0(%arg0: i32, %arg1: i32) -> (i32, i32, i32, i32) {
    %c0_i32 = arith.constant 0 : i32
    %c0_i32_0 = arith.constant 0 : i32
    %c0_i32_1 = arith.constant 0 : i32
    %c0_i32_2 = arith.constant 0 : i32
    return %arg0, %c0_i32, %c0_i32_0, %c0_i32_1 : i32, i32, i32, i32
  }
  func.func @transform_1(%arg0: i32, %arg1: i32) -> (i32, i32, i32, i32) {
    %c0_i32 = arith.constant 0 : i32
    %c0_i32_0 = arith.constant 0 : i32
    %c0_i32_1 = arith.constant 0 : i32
    %c0_i32_2 = arith.constant 0 : i32
    return %arg0, %c0_i32, %c0_i32_0, %c0_i32_1 : i32, i32, i32, i32
  }
  func.func @transform_2(%arg0: i32, %arg1: i32) -> (i32, i32, i32) {
    %c0_i32 = arith.constant 0 : i32
    %c0_i32_0 = arith.constant 0 : i32
    %c0_i32_1 = arith.constant 0 : i32
    %c0_i32_2 = arith.constant 0 : i32
    return %c0_i32, %c0_i32_0, %c0_i32_1 : i32, i32, i32
  }
  func.func @transform_3(%arg0: i32, %arg1: i32) -> (i32, i32) {
    %c0_i32 = arith.constant 0 : i32
    %c0_i32_0 = arith.constant 0 : i32
    %c0_i32_1 = arith.constant 0 : i32
    return %c0_i32, %c0_i32_0 : i32, i32
  }
  func.func @transform_4(%arg0: i32, %arg1: i32) -> (i32, i32, i32) {
    %c0_i32 = arith.constant 0 : i32
    %c0_i32_0 = arith.constant 0 : i32
    return %arg0, %c0_i32, %arg1 : i32, i32, i32
  }
  func.func @transform_5(%arg0: i32, %arg1: i32) -> (i32, i32, i32) {
    %c0_i32 = arith.constant 0 : i32
    %c0_i32_0 = arith.constant 0 : i32
    return %arg0, %arg1, %c0_i32 : i32, i32, i32
  }
}

module attributes {stable_mosaic.version = 14 : i64} {
  func.func @_conv2_body(%arg0: i32, %arg1: i32, %arg2: memref<1x128x16384xbf16, #tpu.memory_space<vmem>>, %arg3: memref<3x96x384xbf16, #tpu.memory_space<vmem>>, %arg4: memref<96x1xf32, #tpu.memory_space<vmem>>, %arg5: memref<1x96x2048xf32, #tpu.memory_space<vmem>>, %arg6: memref<128x16640xbf16, #tpu.memory_space<vmem>>) attributes {dimension_semantics = [#tpu.dimension_semantics<arbitrary>, #tpu.dimension_semantics<arbitrary>], iteration_bounds = array<i64: 2, 8>, scalar_prefetch = 0 : i64, scratch_operands = 1 : i64, tpu.core_type = #tpu.core_type<tc>, window_params = [{transform_indices = @transform_0, window_bounds = array<i64: 1, 128, 16384>}, {pipeline_mode = #tpu.pipeline_mode<synchronous>, transform_indices = @transform_1, window_bounds = array<i64: 3, 96, 384>}, {pipeline_mode = #tpu.pipeline_mode<synchronous>, transform_indices = @transform_2, window_bounds = array<i64: 96, 1>}, {transform_indices = @transform_3, window_bounds = array<i64: 1, 96, 2048>}]} {
    %eq3A = arith.constant 0 : i32
    %eq3A_0 = arith.cmpi eq, %arg1, %eq3A : i32
    %convert_element_type3A = arith.extui %eq3A_0 : i1 to i32
    %cond3A = arith.constant 0 : i32
    %cond3A_1 = arith.cmpi ne, %convert_element_type3A, %cond3A : i32
    scf.if %cond3A_1 {
      %broadcast_in_dim3A_61 = arith.constant 0.000000e+00 : bf16
      %broadcast_in_dim3A_62 = vector.broadcast %broadcast_in_dim3A_61 : bf16 to vector<128x128xbf16>
      %swap3A_63 = arith.constant 0 : index
      %swap3A_64 = arith.constant 0 : index
      %swap3A_65 = vector.load %arg6[%swap3A_63, %swap3A_64] : memref<128x16640xbf16, #tpu.memory_space<vmem>>, vector<128x128xbf16>
      tpu.vector_store %arg6[%swap3A_63, %swap3A_64], %broadcast_in_dim3A_62 {strides = array<i32>} : memref<128x16640xbf16, #tpu.memory_space<vmem>>, vector<128x128xbf16>,
      %swap3A_66 = arith.constant 0 : index
      %swap3A_67 = arith.constant 16512 : index
      %swap3A_68 = vector.load %arg6[%swap3A_66, %swap3A_67] : memref<128x16640xbf16, #tpu.memory_space<vmem>>, vector<128x128xbf16>
      tpu.vector_store %arg6[%swap3A_66, %swap3A_67], %broadcast_in_dim3A_62 {strides = array<i32>} : memref<128x16640xbf16, #tpu.memory_space<vmem>>, vector<128x128xbf16>,
      %get3A_69 = arith.constant 0 : index
      %get3A_70 = arith.constant 0 : index
      %get3A_71 = arith.constant 0 : index
      %get3A_72 = vector.load %arg2[%get3A_69, %get3A_70, %get3A_71] : memref<1x128x16384xbf16, #tpu.memory_space<vmem>>, vector<1x128x16384xbf16>
      %get3A_73 = vector.shape_cast %get3A_72 : vector<1x128x16384xbf16> to vector<128x16384xbf16>
      %swap3A_74 = arith.constant 0 : index
      %swap3A_75 = arith.constant 128 : index
      %swap3A_76 = vector.load %arg6[%swap3A_74, %swap3A_75] : memref<128x16640xbf16, #tpu.memory_space<vmem>>, vector<128x16384xbf16>
      tpu.vector_store %arg6[%swap3A_74, %swap3A_75], %get3A_73 {strides = array<i32>} : memref<128x16640xbf16, #tpu.memory_space<vmem>>, vector<128x16384xbf16>,
    } else {
    }
    %mul3A = arith.constant 2048 : i32
    %mul3A_2 = arith.muli %arg1, %mul3A : i32
    %multiple_of3A = tpu.assume_multiple %mul3A_2, 2048 : i32
    %get3A = arith.constant 0 : index
    %get3A_3 = arith.index_cast %multiple_of3A : i32 to index
    %get3A_4 = vector.load %arg6[%get3A, %get3A_3] : memref<128x16640xbf16, #tpu.memory_space<vmem>>, vector<128x2304xbf16>
    %iota3A = tpu.iota {dimensions = array<i32: 1>} : vector<1x2304xi32>
    %rem3A = arith.constant 128 : i32
    %rem3A_5 = vector.broadcast %rem3A : i32 to vector<1x2304xi32>
    %rem3A_6 = arith.remsi %iota3A, %rem3A_5 : vector<1x2304xi32>
    %ne3A = arith.constant 0 : i32
    %ne3A_7 = vector.broadcast %ne3A : i32 to vector<1x2304xi32>
    %ne3A_8 = arith.cmpi ne, %rem3A_6, %ne3A_7 : vector<1x2304xi32>
    %slice3A = vector.extract_strided_slice %get3A_4 {offsets = [0, 2303], sizes = [128, 1], strides = [1, 1]} : vector<128x2304xbf16> to vector<128x1xbf16>
    %slice3A_9 = vector.extract_strided_slice %get3A_4 {offsets = [0, 0], sizes = [128, 2303], strides = [1, 1]} : vector<128x2304xbf16> to vector<128x2303xbf16>
    %concatenate3A = tpu.concatenate %slice3A, %slice3A_9 in 1 : vector<128x1xbf16>, vector<128x2303xbf16> -> vector<128x2304xbf16>
    %jit3A = arith.constant 0.000000e+00 : bf16
    %broadcast_in_dim3A = vector.shape_cast %ne3A_8 : vector<1x2304xi1> to vector<1x2304xi1>
    %broadcast_in_dim3A_10 = vector.broadcast %broadcast_in_dim3A : vector<1x2304xi1> to vector<128x2304xi1>
    %broadcast_in_dim3A_11 = vector.broadcast %jit3A : bf16 to vector<128x2304xbf16>
    %select_n3A = arith.select %broadcast_in_dim3A_10, %concatenate3A, %broadcast_in_dim3A_11 : vector<128x2304xi1>, vector<128x2304xbf16>
    %ne3A_12 = arith.constant 127 : i32
    %ne3A_13 = vector.broadcast %ne3A_12 : i32 to vector<1x2304xi32>
    %ne3A_14 = arith.cmpi ne, %rem3A_6, %ne3A_13 : vector<1x2304xi32>
    %slice3A_15 = vector.extract_strided_slice %get3A_4 {offsets = [0, 1], sizes = [128, 2303], strides = [1, 1]} : vector<128x2304xbf16> to vector<128x2303xbf16>
    %slice3A_16 = vector.extract_strided_slice %get3A_4 {offsets = [0, 0], sizes = [128, 1], strides = [1, 1]} : vector<128x2304xbf16> to vector<128x1xbf16>
    %concatenate3A_17 = tpu.concatenate %slice3A_15, %slice3A_16 in 1 : vector<128x2303xbf16>, vector<128x1xbf16> -> vector<128x2304xbf16>
    %jit3A_18 = arith.constant 0.000000e+00 : bf16
    %broadcast_in_dim3A_19 = vector.shape_cast %ne3A_14 : vector<1x2304xi1> to vector<1x2304xi1>
    %broadcast_in_dim3A_20 = vector.broadcast %broadcast_in_dim3A_19 : vector<1x2304xi1> to vector<128x2304xi1>
    %broadcast_in_dim3A_21 = vector.broadcast %jit3A_18 : bf16 to vector<128x2304xbf16>
    %select_n3A_22 = arith.select %broadcast_in_dim3A_20, %concatenate3A_17, %broadcast_in_dim3A_21 : vector<128x2304xi1>, vector<128x2304xbf16>
    %concatenate3A_23 = tpu.concatenate %select_n3A, %get3A_4, %select_n3A_22 in 0 : vector<128x2304xbf16>, vector<128x2304xbf16>, vector<128x2304xbf16> -> vector<384x2304xbf16>
    %broadcast_in_dim3A_24 = arith.constant 0.000000e+00 : f32
    %broadcast_in_dim3A_25 = vector.broadcast %broadcast_in_dim3A_24 : f32 to vector<96x2048xf32>
    %slice3A_26 = vector.extract_strided_slice %concatenate3A_23 {offsets = [0, 0], sizes = [384, 2048], strides = [1, 1]} : vector<384x2304xbf16> to vector<384x2048xbf16>
    %get3A_27 = arith.constant 0 : index
    %get3A_28 = arith.constant 0 : index
    %get3A_29 = arith.constant 0 : index
    %get3A_30 = vector.load %arg3[%get3A_27, %get3A_28, %get3A_29] : memref<3x96x384xbf16, #tpu.memory_space<vmem>>, vector<1x96x384xbf16>
    %get3A_31 = vector.shape_cast %get3A_30 : vector<1x96x384xbf16> to vector<96x384xbf16>
    %dot_general3A = arith.constant dense<0.000000e+00> : vector<96x2048xf32>
    %dot_general3A_32 = tpu.matmul %get3A_31, %slice3A_26, %dot_general3A {dimension_numbers = #tpu.dot_dimension_numbers<[1], [0], [0], [1], [0, 0, 1, 1], [], []>, transpose_lhs_hint = false} : vector<96x384xbf16>, vector<384x2048xbf16>, vector<96x2048xf32> -> vector<96x2048xf32>
    %add3A = arith.addf %broadcast_in_dim3A_25, %dot_general3A_32 : vector<96x2048xf32>
    %slice3A_33 = vector.extract_strided_slice %concatenate3A_23 {offsets = [0, 128], sizes = [384, 2048], strides = [1, 1]} : vector<384x2304xbf16> to vector<384x2048xbf16>
    %get3A_34 = arith.constant 1 : index
    %get3A_35 = arith.constant 0 : index
    %get3A_36 = arith.constant 0 : index
    %get3A_37 = vector.load %arg3[%get3A_34, %get3A_35, %get3A_36] : memref<3x96x384xbf16, #tpu.memory_space<vmem>>, vector<1x96x384xbf16>
    %get3A_38 = vector.shape_cast %get3A_37 : vector<1x96x384xbf16> to vector<96x384xbf16>
    %dot_general3A_39 = arith.constant dense<0.000000e+00> : vector<96x2048xf32>
    %dot_general3A_40 = tpu.matmul %get3A_38, %slice3A_33, %dot_general3A_39 {dimension_numbers = #tpu.dot_dimension_numbers<[1], [0], [0], [1], [0, 0, 1, 1], [], []>, transpose_lhs_hint = false} : vector<96x384xbf16>, vector<384x2048xbf16>, vector<96x2048xf32> -> vector<96x2048xf32>
    %add3A_41 = arith.addf %add3A, %dot_general3A_40 : vector<96x2048xf32>
    %slice3A_42 = vector.extract_strided_slice %concatenate3A_23 {offsets = [0, 256], sizes = [384, 2048], strides = [1, 1]} : vector<384x2304xbf16> to vector<384x2048xbf16>
    %get3A_43 = arith.constant 2 : index
    %get3A_44 = arith.constant 0 : index
    %get3A_45 = arith.constant 0 : index
    %get3A_46 = vector.load %arg3[%get3A_43, %get3A_44, %get3A_45] : memref<3x96x384xbf16, #tpu.memory_space<vmem>>, vector<1x96x384xbf16>
    %get3A_47 = vector.shape_cast %get3A_46 : vector<1x96x384xbf16> to vector<96x384xbf16>
    %dot_general3A_48 = arith.constant dense<0.000000e+00> : vector<96x2048xf32>
    %dot_general3A_49 = tpu.matmul %get3A_47, %slice3A_42, %dot_general3A_48 {dimension_numbers = #tpu.dot_dimension_numbers<[1], [0], [0], [1], [0, 0, 1, 1], [], []>, transpose_lhs_hint = false} : vector<96x384xbf16>, vector<384x2048xbf16>, vector<96x2048xf32> -> vector<96x2048xf32>
    %add3A_50 = arith.addf %add3A_41, %dot_general3A_49 : vector<96x2048xf32>
    %get3A_51 = arith.constant 0 : index
    %get3A_52 = arith.constant 0 : index
    %get3A_53 = vector.load %arg4[%get3A_51, %get3A_52] : memref<96x1xf32, #tpu.memory_space<vmem>>, vector<96x1xf32>
    %add3A_54 = vector.broadcast %get3A_53 : vector<96x1xf32> to vector<96x2048xf32>
    %add3A_55 = arith.addf %add3A_50, %add3A_54 : vector<96x2048xf32>
    %swap3A = arith.constant 0 : index
    %swap3A_56 = arith.constant 0 : index
    %swap3A_57 = arith.constant 0 : index
    %swap3A_58 = vector.load %arg5[%swap3A, %swap3A_56, %swap3A_57] : memref<1x96x2048xf32, #tpu.memory_space<vmem>>, vector<1x96x2048xf32>
    %swap3A_59 = vector.shape_cast %swap3A_58 : vector<1x96x2048xf32> to vector<96x2048xf32>
    %swap3A_60 = vector.shape_cast %add3A_55 : vector<96x2048xf32> to vector<1x96x2048xf32>
    tpu.vector_store %arg5[%swap3A, %swap3A_56, %swap3A_57], %swap3A_60 {strides = array<i32>} : memref<1x96x2048xf32, #tpu.memory_space<vmem>>, vector<1x96x2048xf32>,
    return
  }
  func.func @transform_0(%arg0: i32, %arg1: i32) -> (i32, i32, i32) {
    %c0_i32 = arith.constant 0 : i32
    %c0_i32_0 = arith.constant 0 : i32
    %c0_i32_1 = arith.constant 0 : i32
    return %arg0, %c0_i32, %c0_i32_0 : i32, i32, i32
  }
  func.func @transform_1(%arg0: i32, %arg1: i32) -> (i32, i32, i32) {
    %c0_i32 = arith.constant 0 : i32
    %c0_i32_0 = arith.constant 0 : i32
    %c0_i32_1 = arith.constant 0 : i32
    %c0_i32_2 = arith.constant 0 : i32
    return %c0_i32, %c0_i32_0, %c0_i32_1 : i32, i32, i32
  }
  func.func @transform_2(%arg0: i32, %arg1: i32) -> (i32, i32) {
    %c0_i32 = arith.constant 0 : i32
    %c0_i32_0 = arith.constant 0 : i32
    %c0_i32_1 = arith.constant 0 : i32
    return %c0_i32, %c0_i32_0 : i32, i32
  }
  func.func @transform_3(%arg0: i32, %arg1: i32) -> (i32, i32, i32) {
    %c0_i32 = arith.constant 0 : i32
    %c0_i32_0 = arith.constant 0 : i32
    return %arg0, %c0_i32, %arg1 : i32, i32, i32
  }
}

</mosaic_0001>

<sc_bundles>
// kernel: kernel.6.cloned.1.call-start
scs
__scs_entry_jumppad:
0x0: {  	(pc) =	sbr.rel $0x88, $3  }
0x1: {  	(tag) =	ssettag $0x0;
	lr =	simm.s32 $0x1  }
0x2: {  	[smem:$0x3F9B] =	sst lr;
	_ =	strace $0xD0000000  }
0x3: {  	_ = 	snop  }
0x4: {  	_ = 	snop  }
0x5: {  	_ = 	snop  }
0x6: {  	_ = 	snop  }
0x7: {  	_ = 	snop  }
__scs_overlays_trampoline_lowered:
0x8: {  	[smem:$0x3FAA] =	sst s0  }
0x9: {  	[smem:$0x3FAB] =	sst s1  }
0xa: {  	[smem:$0x3FAC] =	sst s2  }
0xb: {  	[smem:$0x3FAD] =	sst s3  }
0xc: {  	[smem:$0x3FAE] =	sst s4  }
0xd: {  	[smem:$0x3FAF] =	sst s5  }
0xe: {  	[smem:$0x3FB0] =	sst s6  }
0xf: {  	[smem:$0x3FB1] =	sst s7  }
0x10: {  	[smem:$0x3FB2] =	sst s8  }
0x11: {  	[smem:$0x3FB3] =	sst s9;
	s0 =	simm.s32 @!p0 $0x0  }
0x12: {  	s1 =	sld [smem:$0x3F99];
	s0 =	simm.s32 @p0 $0x1  }
0x13: {  	[smem:$0x3FB4] =	sst s0;
	s0 =	simm.s32 @!p1 $0x0  }
0x14: {  	s2 =	sld [smem:$0x3F98];
	s0 =	simm.s32 @p1 $0x1  }
0x15: {  	[smem:$0x3FB5] =	sst s0;
	s0 =	simm.s32 @!p2 $0x0  }
0x16: {  	s3 =	sld [smem:$0x3FDB];
	s0 =	simm.s32 @p2 $0x1  }
0x17: {  	s4 =	simm.s32 $0x1BF5;
	[smem:$0x3FB7] =	sst s0  }
0x18: {  	s0 =	sld [smem:$0x3F9A];
	_ =	swait.ge [sflag:s4], $0x0  }
0x19: {  	s7 =	sld [smem:$0x3F9B]  }
0x1a: {  	s8 =	sadd.s32 $0xFFFFE003, lr  }
0x1b: {  	s9 =	sadd.s32 $0xFFFFFEF7, lr;
	s5 =	simm.s32 $0xFFFFFFFF;
	p2 =	slt.u32 s8, $0xFFFFF086  }
0x1c: {  	p1 =	slt.u32 s9, $0xF7A;
	s5 =	simm.s32 @!p2 $0x0  }
0x1d: {  	s5 =	simm.s32 @p1 $0x1;
	p0 =	seq.s32 s7, s2  }
0x1e: {  	s7 =	smul.u32 @!p0 $0xF7A, s2;
	p2 =	seq.s32 @!p0 s5, $0x0  }
0x1f: {  	s9 =	smul.u32 $0xF7A, s1;
	s8 =	simm.s32 @!p0 $0x1BF5;
	p2 =	por !p2, p0  }
0x20: {  	[sflag:s8] =	ssyncset.s32 @!p0 $0xFFFFF086;
	s6 =	sadd.s32 @!p0 s3, s7;
	s7 =	simm.s32 @!p0 $0x108  }
0x21: {  	s3 =	sadd.s32 s3, s9;
	s6 =	sadd.s32 @!p0 $0x88, s6;
	s7 =	simm.s32 @p2 $0x1082  }
0x22: {  	[simem:s7], [sflag:s8] =	dma.local @!p0 [hbm:s6], $0xF7A  }
0x23: {  	s9 =	sor.u32 $0xD0000000, s2;
	s6 =	simm.s32 $0x108;
	_ =	swait.ge @!p0 [sflag:s8], $0x0  }
0x24: {  	s3 =	sadd.s32 $0x88, s3;
	s6 =	simm.s32 @!p1 $0x1082;
	[sflag:s4] =	ssyncset.s32 $0xFFFFF086  }
0x25: {  	[simem:s6], [sflag:s4] =	dma.local [hbm:s3], $0xF7A  }
0x26: {  	[smem:$0x3F9B] =	sst s1;
	(tag) =	ssettag s2;
	_ =	strace s9  }
0x27: {  	s1 =	sld [smem:$0x3FAB]  }
0x28: {  	s2 =	sld [smem:$0x3FAC]  }
0x29: {  	s4 =	sld [smem:$0x3FAE]  }
0x2a: {  	p0 =	seq.s32 s5, $0x0;
	s5 =	sld [smem:$0x3FAF]  }
0x2b: {  	s6 =	sld [smem:$0x3FB0]  }
0x2c: {  	s7 =	sld [smem:$0x3FB1]  }
0x2d: {  	s3 =	simm.s32 $0x108;
	s8 =	sld [smem:$0x3FB2]  }
0x2e: {  	s3 =	simm.s32 @!p0 $0x1082;
	s9 =	sld [smem:$0x3FB3]  }
0x2f: {  	lr =	sadd.s32 s0, s3;
	s0 =	sld [smem:$0x3FAA]  }
0x30: {  	s3 =	sld [smem:$0x3FAD]  }
0x31: {  	[smem:$0x3FB6] =	sst s10  }
0x32: {  	s10 =	sld [smem:$0x3FB4];
	_ =	sdelay $0x3  }
0x33: {  	p0 =	seq.s32 s10, $0x1;
	s10 =	sld [smem:$0x3FB6];
	_ =	sdelay $0x3  }
0x34: {  	[smem:$0x3FB6] =	sst s10  }
0x35: {  	s10 =	sld [smem:$0x3FB5];
	_ =	sdelay $0x3  }
0x36: {  	p1 =	seq.s32 s10, $0x1;
	s10 =	sld [smem:$0x3FB6];
	_ =	sdelay $0x3  }
0x37: {  	[smem:$0x3FB6] =	sst s10  }
0x38: {  	s10 =	sld [smem:$0x3FB7]  }
0x39: {  	_ = 	snop;
	(pc) =	sbr.ind lr, $3  }
0x3a: {  	_ = 	snop  }
0x3b: {  	_ = 	snop  }
0x3c: {  	p2 =	seq.s32 s10, $0x1;
	s10 =	sld [smem:$0x3FB6]  }
0x3d: {  	_ =	shalt  }
0x3e: {  	_ =	shalt  }
0x3f: {  	_ =	shalt  }
0x40: {  	_ =	shalt  }
0x41: {  	_ =	shalt  }
0x42: {  	_ =	shalt  }
0x43: {  	_ =	shalt  }
0x44: {  	_ =	shalt  }
0x45: {  	_ =	shalt  }
0x46: {  	_ =	shalt  }
0x47: {  	_ =	shalt  }
0x48: {  	_ =	shalt  }
0x49: {  	_ =	shalt  }
0x4a: {  	_ =	shalt  }
0x4b: {  	_ =	shalt  }
0x4c: {  	_ =	shalt  }
0x4d: {  	_ =	shalt  }
0x4e: {  	_ =	shalt  }
0x4f: {  	_ =	shalt  }
0x50: {  	_ =	shalt  }
0x51: {  	_ =	shalt  }
0x52: {  	_ =	shalt  }
0x53: {  	_ =	shalt  }
0x54: {  	_ =	shalt  }
0x55: {  	_ =	shalt  }
0x56: {  	_ =	shalt  }
0x57: {  	_ =	shalt  }
0x58: {  	_ =	shalt  }
0x59: {  	_ =	shalt  }
0x5a: {  	_ =	shalt  }
0x5b: {  	_ =	shalt  }
0x5c: {  	_ =	shalt  }
0x5d: {  	_ =	shalt  }
0x5e: {  	_ =	shalt  }
0x5f: {  	_ =	shalt  }
0x60: {  	_ =	shalt  }
0x61: {  	_ =	shalt  }
0x62: {  	_ =	shalt  }
0x63: {  	_ =	shalt  }
0x64: {  	_ =	shalt  }
0x65: {  	_ =	shalt  }
0x66: {  	_ =	shalt  }
0x67: {  	_ =	shalt  }
0x68: {  	_ =	shalt  }
0x69: {  	_ =	shalt  }
0x6a: {  	_ =	shalt  }
0x6b: {  	_ =	shalt  }
0x6c: {  	_ =	shalt  }
0x6d: {  	_ =	shalt  }
0x6e: {  	_ =	shalt  }
0x6f: {  	_ =	shalt  }
0x70: {  	_ =	shalt  }
0x71: {  	_ =	shalt  }
0x72: {  	_ =	shalt  }
0x73: {  	_ =	shalt  }
0x74: {  	_ =	shalt  }
0x75: {  	_ =	shalt  }
0x76: {  	_ =	shalt  }
0x77: {  	_ =	shalt  }
0x78: {  	_ =	shalt  }
0x79: {  	_ =	shalt  }
0x7a: {  	_ =	shalt  }
0x7b: {  	_ =	shalt  }
0x7c: {  	_ =	shalt  }
0x7d: {  	_ =	shalt  }
0x7e: {  	_ =	shalt  }
0x7f: {  	_ =	shalt  }
0x80: {  	_ =	shalt  }
0x81: {  	_ =	shalt  }
0x82: {  	_ =	shalt  }
0x83: {  	_ =	shalt  }
0x84: {  	_ =	shalt  }
0x85: {  	_ =	shalt  }
0x86: {  	_ =	shalt  }
0x87: {  	_ =	shalt  }
.Lfunc_end0:
.L_simem_size_0:
called_computation_lowered:
.L_overlay_start_0:
0x88: {  	s2 =	sld [smem:$0x3FD9]  }
0x89: {  	s3 =	sld [smem:$0x3FFE];
	_ =	sdelay $0x1  }
0x8a: {  	s1 =	srdreg.scid  }
0x8b: {  	s0 =	sand.u32 $0x1, s1  }
0x8c: {  	s14 =	sshll.u32 s0, $0xA;
	s2 =	sadd.s32 s3, s2  }
0x8d: {  	s2 =	sadd.s32 s2, s14  }
0x8e: {  	[smem:$0x3FC2] =	sst s2  }
0x8f: {  	_ = 	snop  }
0x90: {  	s2 =	sld [smem:$0x3FD0];
	_ =	sdelay $0x2  }
0x91: {  	s4 =	simm.s32 $0xA;
	s5 =	simm.s32 $0x10;
	s15 =	sld [smem:$0x3FC4]  }
0x92: {  	[smem:s5], [sflag:s4] =	dma.local [hbm:s2], $0x1  }
0x93: {  	_ =	swait.eq [sflag:s4], $0x1  }
0x94: {  	[sflag:s4] =	ssyncset.done $0x0  }
0x95: {  	[sflag:s4] =	ssyncadd.s32 $0xFFFFFFFF  }
0x96: {  	s16 =	sld [smem:$0x11];
	(tm) =	ssettm $0x1  }
0x97: {  	s17 =	sld [smem:$0x3FFB];
	_ =	sdelay $0x3  }
0x98: {  	_ =	strace s17  }
0x99: {  	s4 =	sld [smem:$0x3FFC];
	_ =	sdelay $0x3  }
0x9a: {  	_ =	strace s4  }
0x9b: {  	s4 =	sld [smem:$0x3FFD];
	_ =	sdelay $0x3  }
0x9c: {  	_ =	strace s4  }
0x9d: {  	_ =	strace $0x8FFFFFFF  }
0x9e: {  	s18 =	sld [smem:$0x3FDB];
	_ =	sdelay $0x1  }
0x9f: {  	s19 =	simm.s32 $_scs_section_size  }
0xa0: {  	s6 =	simm.s32 $_size__tile_overlayer_lowered;
	s7 =	simm.s32 $_tile_overlayer_lowered  }
0xa1: {  	s22 =	simm.s32 $0x1BFF;
	s21 =	sshll.u32 s7, $0x1;
	s4 =	sadd.s32 s19, s18  }
0xa2: {  	s8 =	simm.s32 $0x0;
	s20 =	sshll.u32 s6, $0x1;
	s6 =	sadd.s32 s21, s4  }
0xa3: {  	[timem:s8], [sflag:s22] =	dma.local [hbm:s6], s20  }
0xa4: {  	_ =	swait.ge [sflag:s22], s20  }
0xa5: {  	s5 =	ssub.s32 $0x0, s20;
	[sflag:s22] =	ssyncset.done $0x0  }
0xa6: {  	[sflag:s22] =	ssyncadd.s32 s5;
	_ =	sdelay $0x1  }
0xa7: {  	s23 =	simm.s32 $0x1B8B  }
0xa8: {  	_ =	swait.ge [sflag:s23], $0x1  }
0xa9: {  	[sflag:s23] =	ssyncset.done $0x0  }
0xaa: {  	s25 =	simm.s32 $0x1B8E;
	s24 =	sld [smem:$0x3FFE];
	[sflag:s23] =	ssyncadd.s32 $0xFFFFFFFF  }
0xab: {  	s26 =	simm.s32 $execute0_lowered;
	[smem:$0x3FD2] =	sst s25  }
0xac: {  	s6 =	sshll.u32 s26, $0x1;
	_ =	strace $0x80000046;
	[dreg:$0x1] =	wrdreg $0xFFFFFFFF  }
0xad: {  	s28 =	simm.s32 $_size_execute0_lowered;
	s4 =	sadd.s32 s4, s6;
	[dreg:$0x0] =	wrdreg $0x0  }
0xae: {  	s6 =	sshll.u32 s28, $0x1;
	[dreg:$0x2] =	wrdreg s4  }
0xaf: {  	[dreg:$0x3] =	wrdreg s6  }
0xb0: {  	[dreg:$0x4] =	wrdreg $0xC0  }
0xb1: {  	_ =	task [dreg:s8], $0x5FFFF  }
0xb2: {  	[dreg:$0x1] =	wrdreg $0xFFFFFFFF  }
0xb3: {  	[dreg:$0x0] =	wrdreg $0x60  }
0xb4: {  	[dreg:$0x2] =	wrdreg s15  }
0xb5: {  	[dreg:$0x3] =	wrdreg s16  }
0xb6: {  	[dreg:$0x4] =	wrdreg s24  }
0xb7: {  	[dreg:$0x5] =	wrdreg $0x9  }
0xb8: {  	_ =	task.clear_ibuf [dreg:s8], $0x6FFFF;
	_ =	strace $0x90000046  }
0xb9: {  	s29 =	simm.s32 $0x9;
	_ =	strace $0x80000048  }
0xba: {  	_ =	swait.ge [sflag:s29], $0x1  }
0xbb: {  	[sflag:s29] =	ssyncadd.s32 $0xFFFFFFFF  }
0xbc: {  	_ =	strace $0x90000048  }
0xbd: {  	_ =	sfence  }
0xbe: {  	s30 =	sld [smem:$0x0];
	_ =	sdelay $0x2  }
0xbf: {  	s31 =	sshll.u32 s1, $0xD;
	s1 =	sshrl.u32 s1, $0x2  }
0xc0: {  	s3 =	sand.u32 $0x4000, s31;
	s1 =	sadd.s32 s1, s30  }
0xc1: {  	s0 =	sor.u32 s3, s0;
	s1 =	sshll.u32 s1, $0x11  }
0xc2: {  	s0 =	sor.u32 s1, s0  }
0xc3: {  	s0 =	sadd.s32 $0x8F2B, s0  }
0xc4: {  	[sflag:s0] =	ssyncadd.remote.s32 $0x1  }
0xc5: {  	_ =	sfence.sel $0xFFFF  }
0xc6: {  	[dreg:$0x0] =	wrdreg $0xFFFFFFFF;
	(pc) =	sbr.abs _section_cstart, $3  }
0xc7: {  	[dreg:$0x1] =	wrdreg $0xFFFFFFFF  }
0xc8: {  	_ =	task.clear_ibuf [dreg:s8], $0x2FFFF;
	_ =	strace $0x9FFFFFFF  }
0xc9: {  	(tm) =	ssettm $0x7FFFFFFF  }
tec
execute0_lowered:
.L_overlay_start_1:
0x0: {  	(tag) =	ssettag $0x1  }
0x1: {  	s1 =	rddreg [dreg:$0x0];
	s2 =	srdreg.scid  }
0x2: {  	s4 =	rddreg [dreg:$0x1];
	s0 =	stileid.u32;
	s16 =	sand.u32 $0x1, s2  }
0x3: {  	s9 =	rddreg [dreg:$0x2];
	s5 =	sshll.u32 s0, $0xB;
	s6 =	sshll.u32 s16, $0xA  }
0x4: {  	s3 =	simm.s32 $0x0;
	s2 =	rddreg [dreg:$0x3];
	s10 =	sor.u32 s6, s5  }
0x5: {  	[smem:$0x7FF] =	sst s3;
	s5 =	sshrl.u32 s10, $0x3  }
0x6: {  	_ =	strace $0x80000047;
	s4 =	sadd.s32 s4, s5;
	s5 =	simm.s32 $0x3  }
0x7: {  	[tilespmem:s3], [sflag:$0x3] =	stream.linear.gather [hbm4b:s4+s3], $0x400, $0x38;
	[tilespmem:$0x10400] =	vst v63  }
0x8: {  	_ =	swait.ge [sflag:s5], $0x400  }
0x9: {  	s7 =	simm.s32 $0x400;
	[sflag:s5] =	ssyncset.done $0x0  }
0xa: {  	s8 =	simm.s32 $0x1;
	s6 =	simm.s32 $0x100;
	[sflag:s5] =	ssyncadd.s32 $0xFFFFFC00  }
0xb: {  	[tilespmem:s7], [sflag:$0x1] =	stream.indirect.gather [hbm4b:s1+s6], $0x80, s3, s6, $0xb8;
	[tilespmem:$0x10400] =	vst v63  }
0xc: {  	_ =	swait.ge [sflag:s8], $0x8000  }
0xd: {  	s10 =	sshll.u32 s10, $0x4;
	[sflag:s8] =	ssyncset.done $0x0  }
0xe: {  	s17 =	sadd.s32 s10, s9;
	s9 =	simm.s32 $0x8400;
	[sflag:s8] =	ssyncadd.s32 $0xFFFF8000  }
0xf: {  	[tilespmem:s9], [sflag:$0x1] =	stream.indirect.gather [hbm4b:s1+s6], $0x80, s6, s6, $0xb8;
	[tilespmem:$0x10400] =	vst v63  }
0x10: {  	s10 =	sadd.s32 $0x81800, s17  }
0x11: {  	[hbm4b:s10+s3] =	stream.linear.scatter [tilespmem:s7], [sflag:$0x2], $0x8000, $0x38;
	[tilespmem:$0x10400] =	vst v63  }
0x12: {  	_ =	swait.ge [sflag:s8], $0x8000  }
0x13: {  	[sflag:s8] =	ssyncset.done $0x0  }
0x14: {  	s11 =	simm.s32 $0x2;
	[sflag:s8] =	ssyncadd.s32 $0xFFFF8000  }
0x15: {  	_ =	swait.ge [sflag:s11], $0x8000  }
0x16: {  	[sflag:s11] =	ssyncset.done $0x0  }
0x17: {  	s12 =	simm.s32 $0x200;
	[sflag:s11] =	ssyncadd.s32 $0xFFFF8000  }
0x18: {  	[tilespmem:s7], [sflag:$0x1] =	stream.indirect.gather [hbm4b:s1+s6], $0x80, s12, s6, $0xb8;
	[tilespmem:$0x10400] =	vst v63  }
0x19: {  	s13 =	sadd.s32 $0x82800, s17  }
0x1a: {  	[hbm4b:s13+s3] =	stream.linear.scatter [tilespmem:s9], [sflag:$0x2], $0x8000, $0x38;
	[tilespmem:$0x10400] =	vst v63  }
0x1b: {  	_ =	swait.ge [sflag:s8], $0x8000  }
0x1c: {  	[sflag:s8] =	ssyncset.done $0x0  }
0x1d: {  	[sflag:s8] =	ssyncadd.s32 $0xFFFF8000  }
0x1e: {  	_ =	swait.ge [sflag:s11], $0x8000  }
0x1f: {  	[sflag:s11] =	ssyncset.done $0x0  }
0x20: {  	s14 =	simm.s32 $0x300;
	s18 =	ssub.s32 $0x2, s16;
	[sflag:s11] =	ssyncadd.s32 $0xFFFF8000  }
0x21: {  	[tilespmem:s9], [sflag:$0x1] =	stream.indirect.gather [hbm4b:s1+s6], $0x80, s14, s6, $0xb8;
	[tilespmem:$0x10400] =	vst v63  }
0x22: {  	s31 =	sshrl.u32 s18, $0x1;
	s15 =	sadd.s32 $0x83800, s17  }
0x23: {  	[hbm4b:s15+s3] =	stream.linear.scatter [tilespmem:s7], [sflag:$0x2], $0x8000, $0x38;
	[tilespmem:$0x10400] =	vst v63  }
0x24: {  	s16 =	sadd.s32 $0x84800, s17;
	s17 =	ssub.s32 s18, s31;
	_ =	swait.ge [sflag:s8], $0x8000  }
0x25: {  	s17 =	smax.u32 s17, $0x1;
	[sflag:s8] =	ssyncset.done $0x0  }
0x26: {  	p0 =	sne.s32 s17, $0x1;
	[sflag:s8] =	ssyncadd.s32 $0xFFFF8000  }
0x27: {  	[hbm4b:s16+s3] =	stream.linear.scatter [tilespmem:s9], [sflag:$0x2], $0x8000, $0x38;
	[tilespmem:$0x10400] =	vst v63  }
.Ltmp0:
0x28: {  	_ =	swait.ge [sflag:s11], $0x8000;
	(pc) =	sbr.rel @!p0 .LBB2_2-.Ltmp0, $4  }
0x29: {  	[sflag:s11] =	ssyncset.done $0x0  }
0x2a: {  	[sflag:s11] =	ssyncadd.s32 $0xFFFF8000  }
0x2b: {  	_ =	swait.ge [sflag:s11], $0x8000  }
0x2c: {  	s17 =	sadd.s32 $0xFFFFFFFF, s17;
	[sflag:s11] =	ssyncset.done $0x0  }
.LBB2_1:
0x2d: {  	p0 =	sne.s32 s17, $0x1;
	s17 =	sadd.s32 $0xFFFFFFFF, s17;
	[sflag:s11] =	ssyncadd.s32 $0xFFFF8000  }
0x2e: {  	[tilespmem:s3], [sflag:$0x3] =	stream.linear.gather [hbm4b:s4+s3], $0x400, $0x38;
	[tilespmem:$0x10400] =	vst v63  }
0x2f: {  	_ =	swait.ge [sflag:s5], $0x400  }
0x30: {  	[sflag:s5] =	ssyncset.done $0x0  }
0x31: {  	[sflag:s5] =	ssyncadd.s32 $0xFFFFFC00  }
0x32: {  	[tilespmem:s7], [sflag:$0x1] =	stream.indirect.gather [hbm4b:s1+s6], $0x80, s3, s6, $0xb8;
	[tilespmem:$0x10400] =	vst v63  }
0x33: {  	_ =	swait.ge [sflag:s8], $0x8000  }
0x34: {  	[sflag:s8] =	ssyncset.done $0x0  }
0x35: {  	[sflag:s8] =	ssyncadd.s32 $0xFFFF8000  }
0x36: {  	[tilespmem:s9], [sflag:$0x1] =	stream.indirect.gather [hbm4b:s1+s6], $0x80, s6, s6, $0xb8;
	[tilespmem:$0x10400] =	vst v63  }
0x37: {  	_ = 	snop  }
0x38: {  	[hbm4b:s10+s3] =	stream.linear.scatter [tilespmem:s7], [sflag:$0x2], $0x8000, $0x38;
	[tilespmem:$0x10400] =	vst v63  }
0x39: {  	_ =	swait.ge [sflag:s8], $0x8000  }
0x3a: {  	[sflag:s8] =	ssyncset.done $0x0  }
0x3b: {  	[sflag:s8] =	ssyncadd.s32 $0xFFFF8000  }
0x3c: {  	_ =	swait.ge [sflag:s11], $0x8000  }
0x3d: {  	[sflag:s11] =	ssyncset.done $0x0  }
0x3e: {  	[sflag:s11] =	ssyncadd.s32 $0xFFFF8000  }
0x3f: {  	[tilespmem:s7], [sflag:$0x1] =	stream.indirect.gather [hbm4b:s1+s6], $0x80, s12, s6, $0xb8;
	[tilespmem:$0x10400] =	vst v63  }
0x40: {  	_ = 	snop  }
0x41: {  	[hbm4b:s13+s3] =	stream.linear.scatter [tilespmem:s9], [sflag:$0x2], $0x8000, $0x38;
	[tilespmem:$0x10400] =	vst v63  }
0x42: {  	_ =	swait.ge [sflag:s8], $0x8000  }
0x43: {  	[sflag:s8] =	ssyncset.done $0x0  }
0x44: {  	[sflag:s8] =	ssyncadd.s32 $0xFFFF8000  }
0x45: {  	_ =	swait.ge [sflag:s11], $0x8000  }
0x46: {  	[sflag:s11] =	ssyncset.done $0x0  }
0x47: {  	[sflag:s11] =	ssyncadd.s32 $0xFFFF8000  }
0x48: {  	[tilespmem:s9], [sflag:$0x1] =	stream.indirect.gather [hbm4b:s1+s6], $0x80, s14, s6, $0xb8;
	[tilespmem:$0x10400] =	vst v63  }
0x49: {  	_ = 	snop  }
0x4a: {  	[hbm4b:s15+s3] =	stream.linear.scatter [tilespmem:s7], [sflag:$0x2], $0x8000, $0x38;
	[tilespmem:$0x10400] =	vst v63  }
0x4b: {  	_ =	swait.ge [sflag:s8], $0x8000  }
0x4c: {  	[sflag:s8] =	ssyncset.done $0x0  }
0x4d: {  	[sflag:s8] =	ssyncadd.s32 $0xFFFF8000  }
0x4e: {  	[hbm4b:s16+s3] =	stream.linear.scatter [tilespmem:s9], [sflag:$0x2], $0x8000, $0x38;
	[tilespmem:$0x10400] =	vst v63  }
.Ltmp1:
0x4f: {  	_ =	swait.ge [sflag:s11], $0x8000;
	(pc) =	sbr.rel @p0 .LBB2_1-.Ltmp1, $4  }
0x50: {  	[sflag:s11] =	ssyncset.done $0x0  }
0x51: {  	[sflag:s11] =	ssyncadd.s32 $0xFFFF8000  }
0x52: {  	_ =	swait.ge [sflag:s11], $0x8000  }
0x53: {  	[sflag:s11] =	ssyncset.done $0x0  }
.LBB2_2:
0x54: {  	[sflag:s11] =	ssyncadd.s32 $0xFFFF8000  }
0x55: {  	_ =	sfence.sel $0x180000  }
0x56: {  	[bflag:$0x0] =	sbarrier.arrive $0xFFFF  }
0x57: {  	p0 =	sne.s32 s0, $0x0;
	_ =	strace $0x90000047  }
0x58: {  	s0 =	sadd.s32 @!p0 $0x100000, s2;
	[bflag:$0x2] =	sbarrier.arrive $0xFFFF  }
0x59: {  	[sflag:s0] =	ssyncadd.tile.s32 @!p0 $0x1;
	_ =	shalt  }
.Lfunc_end2:
_tile_overlayer_lowered:
.L_overlay_start_2:
0x5a: {  	(tag) =	ssettag $0x2  }
0x5b: {  	s0 =	rddreg [dreg:$0x0];
	s2 =	stileid.u32  }
0x5c: {  	s1 =	rddreg [dreg:$0x1];
	p0 =	sne.s32 s2, $0x0  }
0x5d: {  	s3 =	rddreg [dreg:$0x2];
	[bflag:$0x3] =	sbarrier.arrive $0xFFFF;
	s2 =	simm.s32 @!p0 $0x1C03  }
0x5e: {  	[timem:s3], [sflag:s2] =	dma.local @!p0 [hbm:s0], s1  }
0x5f: {  	s0 =	simm.s32 @!p0 $0x3  }
0x60: {  	_ =	swait.ge @!p0 [sflag:s0], s1  }
0x61: {  	s1 =	ssub.s32 @!p0 $0x0, s1;
	[sflag:s0] =	ssyncset.done @!p0 $0x0  }
0x62: {  	[sflag:s0] =	ssyncadd.s32 @!p0 s1  }
0x63: {  	[bflag:$0x3] =	sbarrier.arrive $0xFFFF  }
0x64: {  	_ =	shalt  }

</sc_bundles>
